<compile_context>
chip_gen: v7x
topology: tpu7x:2x2x1
jax: 0.10.2.dev20260603
libtpu: 0.0.44.dev20260713+nightly
codegen_flags: <defaults>
</compile_context>

<pallas_src>
import jax
import jax.numpy as jnp
from jax import lax
from jax.experimental import pallas as pl
from jax.experimental.pallas import tpu as pltpu
from jax.experimental.pallas import tpu_sc as plsc

NUM_EMB = 1000000
DIM = 32
ROWS = 16384
COLS = 50
NW = 32
RB = 16
NBUF = 4
N_BLOCKS = ROWS // RB
BLK_PER_W = N_BLOCKS // NW


def _emb_body(x_hbm, table_hbm, out_hbm, xstage, rows_v, isem, gsem, osem):
    wid = lax.axis_index("s") * 2 + lax.axis_index("c")
    base = wid * BLK_PER_W

    def load_idx(c, b):
        pltpu.sync_copy(x_hbm.at[pl.ds((base + c) * RB, RB)], xstage.at[b])

    def start_gathers(b):
        def one(k, carry):
            pltpu.async_copy(table_hbm.at[xstage.at[b, k]],
                             rows_v.at[b, pl.ds(k * COLS, COLS)], gsem.at[b])
            return carry
        lax.fori_loop(0, RB, one, 0)

    def wait_gathers(b):
        def one(k, carry):
            pltpu.make_async_copy(table_hbm.at[xstage.at[b, k]],
                                  rows_v.at[b, pl.ds(k * COLS, COLS)],
                                  gsem.at[b]).wait()
            return carry
        lax.fori_loop(0, RB, one, 0)

    def start_stores(c, b):
        r0 = (base + c) * RB

        def one(k, carry):
            pltpu.async_copy(rows_v.at[b, pl.ds(k * COLS, COLS)],
                             out_hbm.at[r0 + k], osem.at[b])
            return carry
        lax.fori_loop(0, RB, one, 0)

    def wait_stores(c, b):
        r0 = (base + c) * RB

        def one(k, carry):
            pltpu.make_async_copy(rows_v.at[b, pl.ds(k * COLS, COLS)],
                                  out_hbm.at[r0 + k], osem.at[b]).wait()
            return carry
        lax.fori_loop(0, RB, one, 0)

    def prime(b, carry):
        load_idx(b, b)
        start_gathers(b)
        return carry

    lax.fori_loop(0, NBUF, prime, 0)

    def step(c, carry):
        b = lax.rem(c, NBUF)
        wait_gathers(b)
        start_stores(c, b)

        @pl.when(c + NBUF < BLK_PER_W)
        def _():
            wait_stores(c, b)
            load_idx(c + NBUF, b)
            start_gathers(b)
        return carry

    lax.fori_loop(0, BLK_PER_W, step, 0)

    def drain(b, carry):
        wait_stores(BLK_PER_W - NBUF + b, b)
        return carry

    lax.fori_loop(0, NBUF, drain, 0)


@jax.jit
def _embedding_lookup(x, weight):
    mesh = plsc.VectorSubcoreMesh(core_axis_name="c", subcore_axis_name="s")
    run = pl.kernel(
        _emb_body,
        mesh=mesh,
        out_type=jax.ShapeDtypeStruct((ROWS, COLS, DIM), jnp.float32),
        scratch_types=[
            pltpu.VMEM((NBUF, RB, COLS), jnp.int32),
            pltpu.VMEM((NBUF, RB * COLS, DIM), jnp.float32),
            pltpu.SemaphoreType.DMA((NBUF,)),
            pltpu.SemaphoreType.DMA((NBUF,)),
            pltpu.SemaphoreType.DMA((NBUF,)),
        ],
        compiler_params=pltpu.CompilerParams(use_tc_tiling_on_sc=False),
    )
    return run(x, weight)


def kernel(x, weight):
    return _embedding_lookup(x.astype(jnp.int32), weight)

# --- scband reference (transcript-rebuilt; emitter-appended) ---
"""Pipeline reference for scband-parallel-embedding-67173288509997 (READ-ONLY COPY).

The authoritative reference and input builder live on the scoring server;
editing this copy changes nothing except your own understanding.
"""

import jax, jax.numpy as jnp
import numpy as np

NUM_EMBEDDINGS = 1000000
EMBEDDING_DIM = 32

def setup_inputs(seed: int = 0) -> dict:
    key = jax.random.key(seed)
    k_idx, k_w = jax.random.split(key)
    x = jax.random.randint(k_idx, (16384, 50), 0, NUM_EMBEDDINGS, dtype=jnp.int64 if jax.config.jax_enable_x64 else jnp.int32)
    # xavier_normal init for the embedding table (fan_in=num_embeddings, fan_out=embedding_dim)
    std = float(np.sqrt(2.0 / (NUM_EMBEDDINGS + EMBEDDING_DIM)))
    weight = jax.random.normal(k_w, (NUM_EMBEDDINGS, EMBEDDING_DIM), dtype=jnp.float32) * std
    return {"x": x, "weight": weight}

def reference(x, weight):
    # mp_copy is a no-op forward; world_size==1 so mp_gather is identity.
    # F.embedding(x, weight) -> gather rows of the table.
    return jnp.take(weight, x, axis=0)

if __name__ == "__main__":
    import jax
    _d = setup_inputs()
    print(jax.jit(kernel)(*tuple(_d.values())))

</pallas_src>

<mosaic_0001>
#map = affine_map<(d0, d1) -> (0, 0)>
#map1 = affine_map<(d0, d1) -> (0, 0, 0)>
module attributes {stable_mosaic.version = 14 : i64} {
  func.func @_emb_body(%arg0: i32, %arg1: i32, %arg2: memref<16384x50xi32, #tpu.memory_space<hbm>>, %arg3: memref<1000000x32xf32, #tpu.memory_space<hbm>>, %arg4: memref<16384x50x32xf32, #tpu.memory_space<hbm>>, %arg5: memref<4x16x50xi32, #tpu.memory_space<vmem>>, %arg6: memref<4x800x32xf32, #tpu.memory_space<vmem>>, %arg7: memref<4x!tpu.dma_semaphore, #tpu.memory_space<semaphore_mem>>, %arg8: memref<4x!tpu.dma_semaphore, #tpu.memory_space<semaphore_mem>>, %arg9: memref<4x!tpu.dma_semaphore, #tpu.memory_space<semaphore_mem>>) attributes {dimension_semantics = [#tpu.dimension_semantics<core_parallel>, #tpu.dimension_semantics<subcore_parallel>], iteration_bounds = array<i64: 2, 16>, scalar_prefetch = 0 : i64, scratch_operands = 5 : i64, tpu.core_type = #tpu.core_type<sc_vector_subcore>, window_params = [{transform_indices = #map}, {transform_indices = #map}, {transform_indices = #map1}]} {
    %mul3A = arith.constant 2 : i32
    %mul3A_0 = arith.muli %arg1, %mul3A : i32
    %add3A = arith.addi %mul3A_0, %arg0 : i32
    %mul3A_1 = arith.constant 32 : i32
    %mul3A_2 = arith.muli %add3A, %mul3A_1 : i32
    %scan3A = arith.constant 0 : i32
    %scan3A_3 = arith.constant 0 : i32
    %scan3A_4 = arith.constant 4 : i32
    %scan3A_5 = arith.addi %scan3A_3, %scan3A_4 : i32
    %scan3A_6 = arith.constant 1 : i32
    scf.for %scan3A_20 = %scan3A_3 to %scan3A_5 step %scan3A_6  : i32 {
      %add3A_21 = arith.addi %mul3A_2, %scan3A_20 : i32
      %mul3A_22 = arith.constant 16 : i32
      %mul3A_23 = arith.muli %add3A_21, %mul3A_22 : i32
      "tpu.region"() ({
        %run_scoped3A = tpu.sem_alloc : memref<!tpu.dma_semaphore, #tpu.memory_space<semaphore_mem>>
        %dma_start3A = arith.constant 0 : i32
        %dma_start3A_30 = arith.constant 0 : i32
        %dma_start3A_31 = tpu.memref_slice %arg5[%scan3A_20, %dma_start3A, %dma_start3A_30] : memref<4x16x50xi32, #tpu.memory_space<vmem>> -> memref<1x16x50xi32, #tpu.memory_space<vmem>>
        %dma_start3A_32 = tpu.memref_squeeze %dma_start3A_31 : memref<1x16x50xi32, #tpu.memory_space<vmem>> -> memref<16x50xi32, #tpu.memory_space<vmem>>
        %dma_start3A_33 = arith.constant 0 : i32
        %dma_start3A_34 = tpu.memref_slice %arg2[%mul3A_23, %dma_start3A_33] : memref<16384x50xi32, #tpu.memory_space<hbm>> -> memref<16x50xi32, #tpu.memory_space<hbm>>
        %dma_start3A_35 = arith.constant 0 : i32
        %dma_start3A_36 = arith.constant 0 : i32
        %dma_start3A_37 = tpu.memref_slice %arg5[%scan3A_20, %dma_start3A_35, %dma_start3A_36] : memref<4x16x50xi32, #tpu.memory_space<vmem>> -> memref<1x16x50xi32, #tpu.memory_space<vmem>>
        %dma_start3A_38 = tpu.memref_squeeze %dma_start3A_37 : memref<1x16x50xi32, #tpu.memory_space<vmem>> -> memref<16x50xi32, #tpu.memory_space<vmem>>
        %dma_start3A_39 = arith.constant 0 : i32
        %dma_start3A_40 = tpu.memref_slice %arg2[%mul3A_23, %dma_start3A_39] : memref<16384x50xi32, #tpu.memory_space<hbm>> -> memref<16x50xi32, #tpu.memory_space<hbm>>
        tpu.enqueue_dma source(%dma_start3A_40 : memref<16x50xi32, #tpu.memory_space<hbm>>) target(%dma_start3A_38 : memref<16x50xi32, #tpu.memory_space<vmem>>) target_semaphore(%run_scoped3A : memref<!tpu.dma_semaphore, #tpu.memory_space<semaphore_mem>>)
        %dma_wait3A = arith.constant 0 : i32
        %dma_wait3A_41 = arith.constant 0 : i32
        %dma_wait3A_42 = tpu.memref_slice %arg5[%scan3A_20, %dma_wait3A, %dma_wait3A_41] : memref<4x16x50xi32, #tpu.memory_space<vmem>> -> memref<1x16x50xi32, #tpu.memory_space<vmem>>
        %dma_wait3A_43 = tpu.memref_squeeze %dma_wait3A_42 : memref<1x16x50xi32, #tpu.memory_space<vmem>> -> memref<16x50xi32, #tpu.memory_space<vmem>>
        %dma_wait3A_44 = arith.constant 0 : i32
        %dma_wait3A_45 = tpu.memref_slice %arg2[%mul3A_23, %dma_wait3A_44] : memref<16384x50xi32, #tpu.memory_space<hbm>> -> memref<16x50xi32, #tpu.memory_space<hbm>>
        %dma_wait3A_46 = arith.constant 0 : i32
        %dma_wait3A_47 = arith.constant 0 : i32
        %dma_wait3A_48 = tpu.memref_slice %arg5[%scan3A_20, %dma_wait3A_46, %dma_wait3A_47] : memref<4x16x50xi32, #tpu.memory_space<vmem>> -> memref<1x16x50xi32, #tpu.memory_space<vmem>>
        %dma_wait3A_49 = tpu.memref_squeeze %dma_wait3A_48 : memref<1x16x50xi32, #tpu.memory_space<vmem>> -> memref<16x50xi32, #tpu.memory_space<vmem>>
        %dma_wait3A_50 = arith.constant 0 : i32
        %dma_wait3A_51 = tpu.memref_slice %arg2[%mul3A_23, %dma_wait3A_50] : memref<16384x50xi32, #tpu.memory_space<hbm>> -> memref<16x50xi32, #tpu.memory_space<hbm>>
        tpu.wait_dma2 semaphore(%run_scoped3A : memref<!tpu.dma_semaphore, #tpu.memory_space<semaphore_mem>>) src(%dma_wait3A_51 : memref<16x50xi32, #tpu.memory_space<hbm>>) dst(%dma_wait3A_49 : memref<16x50xi32, #tpu.memory_space<vmem>>)
        tpu.yield
      }) : () -> ()
      %scan3A_24 = arith.constant 0 : i32
      %scan3A_25 = arith.constant 0 : i32
      %scan3A_26 = arith.constant 16 : i32
      %scan3A_27 = arith.addi %scan3A_25, %scan3A_26 : i32
      %scan3A_28 = arith.constant 1 : i32
      scf.for %scan3A_30 = %scan3A_25 to %scan3A_27 step %scan3A_28  : i32 {
        %mul3A_31 = arith.constant 50 : i32
        %mul3A_32 = arith.muli %scan3A_30, %mul3A_31 : i32
        %dma_start3A = arith.constant 0 : i32
        %dma_start3A_33 = tpu.memref_slice %arg6[%scan3A_20, %mul3A_32, %dma_start3A] : memref<4x800x32xf32, #tpu.memory_space<vmem>> -> memref<1x50x32xf32, #tpu.memory_space<vmem>>
        %dma_start3A_34 = tpu.memref_squeeze %dma_start3A_33 : memref<1x50x32xf32, #tpu.memory_space<vmem>> -> memref<50x32xf32, #tpu.memory_space<vmem>>
        %dma_start3A_35 = arith.constant 0 : i32
        %dma_start3A_36 = tpu.memref_slice %arg5[%scan3A_20, %scan3A_30, %dma_start3A_35] : memref<4x16x50xi32, #tpu.memory_space<vmem>> -> memref<1x1x50xi32, #tpu.memory_space<vmem>>
        %dma_start3A_37 = tpu.memref_squeeze %dma_start3A_36 : memref<1x1x50xi32, #tpu.memory_space<vmem>> -> memref<50xi32, #tpu.memory_space<vmem>>
        %dma_start3A_38 = arith.constant 0 : i32
        %dma_start3A_39 = arith.constant 0 : i32
        %dma_start3A_40 = tpu.memref_slice %arg3[%dma_start3A_38, %dma_start3A_39] : memref<1000000x32xf32, #tpu.memory_space<hbm>> -> memref<1000000x32xf32, #tpu.memory_space<hbm>>
        %dma_start3A_41 = tpu.memref_slice %arg8[%scan3A_20] : memref<4x!tpu.dma_semaphore, #tpu.memory_space<semaphore_mem>> -> memref<1x!tpu.dma_semaphore, #tpu.memory_space<semaphore_mem>>
        %dma_start3A_42 = tpu.memref_squeeze %dma_start3A_41 : memref<1x!tpu.dma_semaphore, #tpu.memory_space<semaphore_mem>> -> memref<!tpu.dma_semaphore, #tpu.memory_space<semaphore_mem>>
        tpu.enqueue_indirect_dma source(%dma_start3A_40 : memref<1000000x32xf32, #tpu.memory_space<hbm>>) target(%dma_start3A_34 : memref<50x32xf32, #tpu.memory_space<vmem>>) offsets(%dma_start3A_37 : memref<50xi32, #tpu.memory_space<vmem>>) semaphore(%dma_start3A_42 : memref<!tpu.dma_semaphore, #tpu.memory_space<semaphore_mem>>)
      }
      %scan3A_29 = arith.constant 16 : i32
    }
    %scan3A_7 = arith.constant 4 : i32
    %scan3A_8 = arith.constant 0 : i32
    %scan3A_9 = arith.constant 0 : i32
    %scan3A_10 = arith.constant 32 : i32
    %scan3A_11 = arith.addi %scan3A_9, %scan3A_10 : i32
    %scan3A_12 = arith.constant 1 : i32
    scf.for %scan3A_20 = %scan3A_9 to %scan3A_11 step %scan3A_12  : i32 {
      %rem3A = arith.constant 4 : i32
      %rem3A_21 = arith.remsi %scan3A_20, %rem3A : i32
      %scan3A_22 = arith.constant 0 : i32
      %scan3A_23 = arith.constant 0 : i32
      %scan3A_24 = arith.constant 16 : i32
      %scan3A_25 = arith.addi %scan3A_23, %scan3A_24 : i32
      %scan3A_26 = arith.constant 1 : i32
      scf.for %scan3A_41 = %scan3A_23 to %scan3A_25 step %scan3A_26  : i32 {
        %mul3A_42 = arith.constant 50 : i32
        %mul3A_43 = arith.muli %scan3A_41, %mul3A_42 : i32
        %dma_wait3A = arith.constant 0 : i32
        %dma_wait3A_44 = tpu.memref_slice %arg6[%rem3A_21, %mul3A_43, %dma_wait3A] : memref<4x800x32xf32, #tpu.memory_space<vmem>> -> memref<1x50x32xf32, #tpu.memory_space<vmem>>
        %dma_wait3A_45 = tpu.memref_squeeze %dma_wait3A_44 : memref<1x50x32xf32, #tpu.memory_space<vmem>> -> memref<50x32xf32, #tpu.memory_space<vmem>>
        %dma_wait3A_46 = arith.constant 0 : i32
        %dma_wait3A_47 = tpu.memref_slice %arg5[%rem3A_21, %scan3A_41, %dma_wait3A_46] : memref<4x16x50xi32, #tpu.memory_space<vmem>> -> memref<1x1x50xi32, #tpu.memory_space<vmem>>
        %dma_wait3A_48 = tpu.memref_squeeze %dma_wait3A_47 : memref<1x1x50xi32, #tpu.memory_space<vmem>> -> memref<50xi32, #tpu.memory_space<vmem>>
        %dma_wait3A_49 = arith.constant 0 : i32
        %dma_wait3A_50 = arith.constant 0 : i32
        %dma_wait3A_51 = tpu.memref_slice %arg3[%dma_wait3A_49, %dma_wait3A_50] : memref<1000000x32xf32, #tpu.memory_space<hbm>> -> memref<1000000x32xf32, #tpu.memory_space<hbm>>
        %dma_wait3A_52 = tpu.memref_slice %arg8[%rem3A_21] : memref<4x!tpu.dma_semaphore, #tpu.memory_space<semaphore_mem>> -> memref<1x!tpu.dma_semaphore, #tpu.memory_space<semaphore_mem>>
        %dma_wait3A_53 = tpu.memref_squeeze %dma_wait3A_52 : memref<1x!tpu.dma_semaphore, #tpu.memory_space<semaphore_mem>> -> memref<!tpu.dma_semaphore, #tpu.memory_space<semaphore_mem>>
        tpu.wait_indirect_dma semaphore(%dma_wait3A_53 : memref<!tpu.dma_semaphore, #tpu.memory_space<semaphore_mem>>) src(%dma_wait3A_51 : memref<1000000x32xf32, #tpu.memory_space<hbm>>) dst(%dma_wait3A_45 : memref<50x32xf32, #tpu.memory_space<vmem>>)
      }
      %scan3A_27 = arith.constant 16 : i32
      %add3A_28 = arith.addi %mul3A_2, %scan3A_20 : i32
      %mul3A_29 = arith.constant 16 : i32
      %mul3A_30 = arith.muli %add3A_28, %mul3A_29 : i32
      %scan3A_31 = arith.constant 0 : i32
      %scan3A_32 = arith.constant 0 : i32
      %scan3A_33 = arith.constant 16 : i32
      %scan3A_34 = arith.addi %scan3A_32, %scan3A_33 : i32
      %scan3A_35 = arith.constant 1 : i32
      scf.for %scan3A_41 = %scan3A_32 to %scan3A_34 step %scan3A_35  : i32 {
        %mul3A_42 = arith.constant 50 : i32
        %mul3A_43 = arith.muli %scan3A_41, %mul3A_42 : i32
        %add3A_44 = arith.addi %mul3A_30, %scan3A_41 : i32
        %dma_start3A = arith.constant 0 : i32
        %dma_start3A_45 = tpu.memref_slice %arg6[%rem3A_21, %mul3A_43, %dma_start3A] : memref<4x800x32xf32, #tpu.memory_space<vmem>> -> memref<1x50x32xf32, #tpu.memory_space<vmem>>
        %dma_start3A_46 = tpu.memref_squeeze %dma_start3A_45 : memref<1x50x32xf32, #tpu.memory_space<vmem>> -> memref<50x32xf32, #tpu.memory_space<vmem>>
        %dma_start3A_47 = arith.constant 0 : i32
        %dma_start3A_48 = arith.constant 0 : i32
        %dma_start3A_49 = tpu.memref_slice %arg4[%add3A_44, %dma_start3A_47, %dma_start3A_48] : memref<16384x50x32xf32, #tpu.memory_space<hbm>> -> memref<1x50x32xf32, #tpu.memory_space<hbm>>
        %dma_start3A_50 = tpu.memref_squeeze %dma_start3A_49 : memref<1x50x32xf32, #tpu.memory_space<hbm>> -> memref<50x32xf32, #tpu.memory_space<hbm>>
        %dma_start3A_51 = tpu.memref_slice %arg9[%rem3A_21] : memref<4x!tpu.dma_semaphore, #tpu.memory_space<semaphore_mem>> -> memref<1x!tpu.dma_semaphore, #tpu.memory_space<semaphore_mem>>
        %dma_start3A_52 = tpu.memref_squeeze %dma_start3A_51 : memref<1x!tpu.dma_semaphore, #tpu.memory_space<semaphore_mem>> -> memref<!tpu.dma_semaphore, #tpu.memory_space<semaphore_mem>>
        %dma_start3A_53 = arith.constant 0 : i32
        %dma_start3A_54 = arith.constant 0 : i32
        %dma_start3A_55 = tpu.memref_slice %arg4[%add3A_44, %dma_start3A_53, %dma_start3A_54] : memref<16384x50x32xf32, #tpu.memory_space<hbm>> -> memref<1x50x32xf32, #tpu.memory_space<hbm>>
        %dma_start3A_56 = tpu.memref_squeeze %dma_start3A_55 : memref<1x50x32xf32, #tpu.memory_space<hbm>> -> memref<50x32xf32, #tpu.memory_space<hbm>>
        %dma_start3A_57 = arith.constant 0 : i32
        %dma_start3A_58 = tpu.memref_slice %arg6[%rem3A_21, %mul3A_43, %dma_start3A_57] : memref<4x800x32xf32, #tpu.memory_space<vmem>> -> memref<1x50x32xf32, #tpu.memory_space<vmem>>
        %dma_start3A_59 = tpu.memref_squeeze %dma_start3A_58 : memref<1x50x32xf32, #tpu.memory_space<vmem>> -> memref<50x32xf32, #tpu.memory_space<vmem>>
        tpu.enqueue_dma source(%dma_start3A_59 : memref<50x32xf32, #tpu.memory_space<vmem>>) target(%dma_start3A_56 : memref<50x32xf32, #tpu.memory_space<hbm>>) target_semaphore(%dma_start3A_52 : memref<!tpu.dma_semaphore, #tpu.memory_space<semaphore_mem>>)
      }
      %scan3A_36 = arith.constant 16 : i32
      %add3A_37 = arith.constant 4 : i32
      %add3A_38 = arith.addi %scan3A_20, %add3A_37 : i32
      %lt3A = arith.constant 32 : i32
      %lt3A_39 = arith.cmpi slt, %add3A_38, %lt3A : i32
      %convert_element_type3A = arith.extui %lt3A_39 : i1 to i32
      %cond3A = arith.constant 0 : i32
      %cond3A_40 = arith.cmpi ne, %convert_element_type3A, %cond3A : i32
      scf.if %cond3A_40 {
        %add3A_41 = arith.addi %mul3A_2, %scan3A_20 : i32
        %mul3A_42 = arith.constant 16 : i32
        %mul3A_43 = arith.muli %add3A_41, %mul3A_42 : i32
        %scan3A_44 = arith.constant 0 : i32
        %scan3A_45 = arith.constant 0 : i32
        %scan3A_46 = arith.constant 16 : i32
        %scan3A_47 = arith.addi %scan3A_45, %scan3A_46 : i32
        %scan3A_48 = arith.constant 1 : i32
        scf.for %scan3A_61 = %scan3A_45 to %scan3A_47 step %scan3A_48  : i32 {
          %mul3A_62 = arith.constant 50 : i32
          %mul3A_63 = arith.muli %scan3A_61, %mul3A_62 : i32
          %add3A_64 = arith.addi %mul3A_43, %scan3A_61 : i32
          %dma_wait3A = arith.constant 0 : i32
          %dma_wait3A_65 = tpu.memref_slice %arg6[%rem3A_21, %mul3A_63, %dma_wait3A] : memref<4x800x32xf32, #tpu.memory_space<vmem>> -> memref<1x50x32xf32, #tpu.memory_space<vmem>>
          %dma_wait3A_66 = tpu.memref_squeeze %dma_wait3A_65 : memref<1x50x32xf32, #tpu.memory_space<vmem>> -> memref<50x32xf32, #tpu.memory_space<vmem>>
          %dma_wait3A_67 = arith.constant 0 : i32
          %dma_wait3A_68 = arith.constant 0 : i32
          %dma_wait3A_69 = tpu.memref_slice %arg4[%add3A_64, %dma_wait3A_67, %dma_wait3A_68] : memref<16384x50x32xf32, #tpu.memory_space<hbm>> -> memref<1x50x32xf32, #tpu.memory_space<hbm>>
          %dma_wait3A_70 = tpu.memref_squeeze %dma_wait3A_69 : memref<1x50x32xf32, #tpu.memory_space<hbm>> -> memref<50x32xf32, #tpu.memory_space<hbm>>
          %dma_wait3A_71 = tpu.memref_slice %arg9[%rem3A_21] : memref<4x!tpu.dma_semaphore, #tpu.memory_space<semaphore_mem>> -> memref<1x!tpu.dma_semaphore, #tpu.memory_space<semaphore_mem>>
          %dma_wait3A_72 = tpu.memref_squeeze %dma_wait3A_71 : memref<1x!tpu.dma_semaphore, #tpu.memory_space<semaphore_mem>> -> memref<!tpu.dma_semaphore, #tpu.memory_space<semaphore_mem>>
          %dma_wait3A_73 = arith.constant 0 : i32
          %dma_wait3A_74 = arith.constant 0 : i32
          %dma_wait3A_75 = tpu.memref_slice %arg4[%add3A_64, %dma_wait3A_73, %dma_wait3A_74] : memref<16384x50x32xf32, #tpu.memory_space<hbm>> -> memref<1x50x32xf32, #tpu.memory_space<hbm>>
          %dma_wait3A_76 = tpu.memref_squeeze %dma_wait3A_75 : memref<1x50x32xf32, #tpu.memory_space<hbm>> -> memref<50x32xf32, #tpu.memory_space<hbm>>
          %dma_wait3A_77 = arith.constant 0 : i32
          %dma_wait3A_78 = tpu.memref_slice %arg6[%rem3A_21, %mul3A_63, %dma_wait3A_77] : memref<4x800x32xf32, #tpu.memory_space<vmem>> -> memref<1x50x32xf32, #tpu.memory_space<vmem>>
          %dma_wait3A_79 = tpu.memref_squeeze %dma_wait3A_78 : memref<1x50x32xf32, #tpu.memory_space<vmem>> -> memref<50x32xf32, #tpu.memory_space<vmem>>
          tpu.wait_dma2 semaphore(%dma_wait3A_72 : memref<!tpu.dma_semaphore, #tpu.memory_space<semaphore_mem>>) src(%dma_wait3A_79 : memref<50x32xf32, #tpu.memory_space<vmem>>) dst(%dma_wait3A_76 : memref<50x32xf32, #tpu.memory_space<hbm>>)
        }
        %scan3A_49 = arith.constant 16 : i32
        %add3A_50 = arith.constant 4 : i32
        %add3A_51 = arith.addi %scan3A_20, %add3A_50 : i32
        %add3A_52 = arith.addi %mul3A_2, %add3A_51 : i32
        %mul3A_53 = arith.constant 16 : i32
        %mul3A_54 = arith.muli %add3A_52, %mul3A_53 : i32
        "tpu.region"() ({
          %run_scoped3A = tpu.sem_alloc : memref<!tpu.dma_semaphore, #tpu.memory_space<semaphore_mem>>
          %dma_start3A = arith.constant 0 : i32
          %dma_start3A_61 = arith.constant 0 : i32
          %dma_start3A_62 = tpu.memref_slice %arg5[%rem3A_21, %dma_start3A, %dma_start3A_61] : memref<4x16x50xi32, #tpu.memory_space<vmem>> -> memref<1x16x50xi32, #tpu.memory_space<vmem>>
          %dma_start3A_63 = tpu.memref_squeeze %dma_start3A_62 : memref<1x16x50xi32, #tpu.memory_space<vmem>> -> memref<16x50xi32, #tpu.memory_space<vmem>>
          %dma_start3A_64 = arith.constant 0 : i32
          %dma_start3A_65 = tpu.memref_slice %arg2[%mul3A_54, %dma_start3A_64] : memref<16384x50xi32, #tpu.memory_space<hbm>> -> memref<16x50xi32, #tpu.memory_space<hbm>>
          %dma_start3A_66 = arith.constant 0 : i32
          %dma_start3A_67 = arith.constant 0 : i32
          %dma_start3A_68 = tpu.memref_slice %arg5[%rem3A_21, %dma_start3A_66, %dma_start3A_67] : memref<4x16x50xi32, #tpu.memory_space<vmem>> -> memref<1x16x50xi32, #tpu.memory_space<vmem>>
          %dma_start3A_69 = tpu.memref_squeeze %dma_start3A_68 : memref<1x16x50xi32, #tpu.memory_space<vmem>> -> memref<16x50xi32, #tpu.memory_space<vmem>>
          %dma_start3A_70 = arith.constant 0 : i32
          %dma_start3A_71 = tpu.memref_slice %arg2[%mul3A_54, %dma_start3A_70] : memref<16384x50xi32, #tpu.memory_space<hbm>> -> memref<16x50xi32, #tpu.memory_space<hbm>>
          tpu.enqueue_dma source(%dma_start3A_71 : memref<16x50xi32, #tpu.memory_space<hbm>>) target(%dma_start3A_69 : memref<16x50xi32, #tpu.memory_space<vmem>>) target_semaphore(%run_scoped3A : memref<!tpu.dma_semaphore, #tpu.memory_space<semaphore_mem>>)
          %dma_wait3A = arith.constant 0 : i32
          %dma_wait3A_72 = arith.constant 0 : i32
          %dma_wait3A_73 = tpu.memref_slice %arg5[%rem3A_21, %dma_wait3A, %dma_wait3A_72] : memref<4x16x50xi32, #tpu.memory_space<vmem>> -> memref<1x16x50xi32, #tpu.memory_space<vmem>>
          %dma_wait3A_74 = tpu.memref_squeeze %dma_wait3A_73 : memref<1x16x50xi32, #tpu.memory_space<vmem>> -> memref<16x50xi32, #tpu.memory_space<vmem>>
          %dma_wait3A_75 = arith.constant 0 : i32
          %dma_wait3A_76 = tpu.memref_slice %arg2[%mul3A_54, %dma_wait3A_75] : memref<16384x50xi32, #tpu.memory_space<hbm>> -> memref<16x50xi32, #tpu.memory_space<hbm>>
          %dma_wait3A_77 = arith.constant 0 : i32
          %dma_wait3A_78 = arith.constant 0 : i32
          %dma_wait3A_79 = tpu.memref_slice %arg5[%rem3A_21, %dma_wait3A_77, %dma_wait3A_78] : memref<4x16x50xi32, #tpu.memory_space<vmem>> -> memref<1x16x50xi32, #tpu.memory_space<vmem>>
          %dma_wait3A_80 = tpu.memref_squeeze %dma_wait3A_79 : memref<1x16x50xi32, #tpu.memory_space<vmem>> -> memref<16x50xi32, #tpu.memory_space<vmem>>
          %dma_wait3A_81 = arith.constant 0 : i32
          %dma_wait3A_82 = tpu.memref_slice %arg2[%mul3A_54, %dma_wait3A_81] : memref<16384x50xi32, #tpu.memory_space<hbm>> -> memref<16x50xi32, #tpu.memory_space<hbm>>
          tpu.wait_dma2 semaphore(%run_scoped3A : memref<!tpu.dma_semaphore, #tpu.memory_space<semaphore_mem>>) src(%dma_wait3A_82 : memref<16x50xi32, #tpu.memory_space<hbm>>) dst(%dma_wait3A_80 : memref<16x50xi32, #tpu.memory_space<vmem>>)
          tpu.yield
        }) : () -> ()
        %scan3A_55 = arith.constant 0 : i32
        %scan3A_56 = arith.constant 0 : i32
        %scan3A_57 = arith.constant 16 : i32
        %scan3A_58 = arith.addi %scan3A_56, %scan3A_57 : i32
        %scan3A_59 = arith.constant 1 : i32
        scf.for %scan3A_61 = %scan3A_56 to %scan3A_58 step %scan3A_59  : i32 {
          %mul3A_62 = arith.constant 50 : i32
          %mul3A_63 = arith.muli %scan3A_61, %mul3A_62 : i32
          %dma_start3A = arith.constant 0 : i32
          %dma_start3A_64 = tpu.memref_slice %arg6[%rem3A_21, %mul3A_63, %dma_start3A] : memref<4x800x32xf32, #tpu.memory_space<vmem>> -> memref<1x50x32xf32, #tpu.memory_space<vmem>>
          %dma_start3A_65 = tpu.memref_squeeze %dma_start3A_64 : memref<1x50x32xf32, #tpu.memory_space<vmem>> -> memref<50x32xf32, #tpu.memory_space<vmem>>
          %dma_start3A_66 = arith.constant 0 : i32
          %dma_start3A_67 = tpu.memref_slice %arg5[%rem3A_21, %scan3A_61, %dma_start3A_66] : memref<4x16x50xi32, #tpu.memory_space<vmem>> -> memref<1x1x50xi32, #tpu.memory_space<vmem>>
          %dma_start3A_68 = tpu.memref_squeeze %dma_start3A_67 : memref<1x1x50xi32, #tpu.memory_space<vmem>> -> memref<50xi32, #tpu.memory_space<vmem>>
          %dma_start3A_69 = arith.constant 0 : i32
          %dma_start3A_70 = arith.constant 0 : i32
          %dma_start3A_71 = tpu.memref_slice %arg3[%dma_start3A_69, %dma_start3A_70] : memref<1000000x32xf32, #tpu.memory_space<hbm>> -> memref<1000000x32xf32, #tpu.memory_space<hbm>>
          %dma_start3A_72 = tpu.memref_slice %arg8[%rem3A_21] : memref<4x!tpu.dma_semaphore, #tpu.memory_space<semaphore_mem>> -> memref<1x!tpu.dma_semaphore, #tpu.memory_space<semaphore_mem>>
          %dma_start3A_73 = tpu.memref_squeeze %dma_start3A_72 : memref<1x!tpu.dma_semaphore, #tpu.memory_space<semaphore_mem>> -> memref<!tpu.dma_semaphore, #tpu.memory_space<semaphore_mem>>
          tpu.enqueue_indirect_dma source(%dma_start3A_71 : memref<1000000x32xf32, #tpu.memory_space<hbm>>) target(%dma_start3A_65 : memref<50x32xf32, #tpu.memory_space<vmem>>) offsets(%dma_start3A_68 : memref<50xi32, #tpu.memory_space<vmem>>) semaphore(%dma_start3A_73 : memref<!tpu.dma_semaphore, #tpu.memory_space<semaphore_mem>>)
        }
        %scan3A_60 = arith.constant 16 : i32
      } else {
      }
    }
    %scan3A_13 = arith.constant 32 : i32
    %scan3A_14 = arith.constant 0 : i32
    %scan3A_15 = arith.constant 0 : i32
    %scan3A_16 = arith.constant 4 : i32
    %scan3A_17 = arith.addi %scan3A_15, %scan3A_16 : i32
    %scan3A_18 = arith.constant 1 : i32
    scf.for %scan3A_20 = %scan3A_15 to %scan3A_17 step %scan3A_18  : i32 {
      %add3A_21 = arith.constant 28 : i32
      %add3A_22 = arith.addi %add3A_21, %scan3A_20 : i32
      %add3A_23 = arith.addi %mul3A_2, %add3A_22 : i32
      %mul3A_24 = arith.constant 16 : i32
      %mul3A_25 = arith.muli %add3A_23, %mul3A_24 : i32
      %scan3A_26 = arith.constant 0 : i32
      %scan3A_27 = arith.constant 0 : i32
      %scan3A_28 = arith.constant 16 : i32
      %scan3A_29 = arith.addi %scan3A_27, %scan3A_28 : i32
      %scan3A_30 = arith.constant 1 : i32
      scf.for %scan3A_32 = %scan3A_27 to %scan3A_29 step %scan3A_30  : i32 {
        %mul3A_33 = arith.constant 50 : i32
        %mul3A_34 = arith.muli %scan3A_32, %mul3A_33 : i32
        %add3A_35 = arith.addi %mul3A_25, %scan3A_32 : i32
        %dma_wait3A = arith.constant 0 : i32
        %dma_wait3A_36 = tpu.memref_slice %arg6[%scan3A_20, %mul3A_34, %dma_wait3A] : memref<4x800x32xf32, #tpu.memory_space<vmem>> -> memref<1x50x32xf32, #tpu.memory_space<vmem>>
        %dma_wait3A_37 = tpu.memref_squeeze %dma_wait3A_36 : memref<1x50x32xf32, #tpu.memory_space<vmem>> -> memref<50x32xf32, #tpu.memory_space<vmem>>
        %dma_wait3A_38 = arith.constant 0 : i32
        %dma_wait3A_39 = arith.constant 0 : i32
        %dma_wait3A_40 = tpu.memref_slice %arg4[%add3A_35, %dma_wait3A_38, %dma_wait3A_39] : memref<16384x50x32xf32, #tpu.memory_space<hbm>> -> memref<1x50x32xf32, #tpu.memory_space<hbm>>
        %dma_wait3A_41 = tpu.memref_squeeze %dma_wait3A_40 : memref<1x50x32xf32, #tpu.memory_space<hbm>> -> memref<50x32xf32, #tpu.memory_space<hbm>>
        %dma_wait3A_42 = tpu.memref_slice %arg9[%scan3A_20] : memref<4x!tpu.dma_semaphore, #tpu.memory_space<semaphore_mem>> -> memref<1x!tpu.dma_semaphore, #tpu.memory_space<semaphore_mem>>
        %dma_wait3A_43 = tpu.memref_squeeze %dma_wait3A_42 : memref<1x!tpu.dma_semaphore, #tpu.memory_space<semaphore_mem>> -> memref<!tpu.dma_semaphore, #tpu.memory_space<semaphore_mem>>
        %dma_wait3A_44 = arith.constant 0 : i32
        %dma_wait3A_45 = arith.constant 0 : i32
        %dma_wait3A_46 = tpu.memref_slice %arg4[%add3A_35, %dma_wait3A_44, %dma_wait3A_45] : memref<16384x50x32xf32, #tpu.memory_space<hbm>> -> memref<1x50x32xf32, #tpu.memory_space<hbm>>
        %dma_wait3A_47 = tpu.memref_squeeze %dma_wait3A_46 : memref<1x50x32xf32, #tpu.memory_space<hbm>> -> memref<50x32xf32, #tpu.memory_space<hbm>>
        %dma_wait3A_48 = arith.constant 0 : i32
        %dma_wait3A_49 = tpu.memref_slice %arg6[%scan3A_20, %mul3A_34, %dma_wait3A_48] : memref<4x800x32xf32, #tpu.memory_space<vmem>> -> memref<1x50x32xf32, #tpu.memory_space<vmem>>
        %dma_wait3A_50 = tpu.memref_squeeze %dma_wait3A_49 : memref<1x50x32xf32, #tpu.memory_space<vmem>> -> memref<50x32xf32, #tpu.memory_space<vmem>>
        tpu.wait_dma2 semaphore(%dma_wait3A_43 : memref<!tpu.dma_semaphore, #tpu.memory_space<semaphore_mem>>) src(%dma_wait3A_50 : memref<50x32xf32, #tpu.memory_space<vmem>>) dst(%dma_wait3A_47 : memref<50x32xf32, #tpu.memory_space<hbm>>)
      }
      %scan3A_31 = arith.constant 16 : i32
    }
    %scan3A_19 = arith.constant 4 : i32
    return
  }
}

</mosaic_0001>

<sc_bundles>
// kernel: _embedding_lookup.3.cloned.1.call-start
scs
__scs_entry_jumppad:
0x0: {  	(pc) =	sbr.rel $0x88, $3  }
0x1: {  	(tag) =	ssettag $0x0;
	lr =	simm.s32 $0x1  }
0x2: {  	[smem:$0x3F9F] =	sst lr;
	_ =	strace $0xD0000000  }
0x3: {  	_ = 	snop  }
0x4: {  	_ = 	snop  }
0x5: {  	_ = 	snop  }
0x6: {  	_ = 	snop  }
0x7: {  	_ = 	snop  }
__scs_overlays_trampoline_lowered:
0x8: {  	[smem:$0x3FAE] =	sst s0  }
0x9: {  	[smem:$0x3FAF] =	sst s1  }
0xa: {  	[smem:$0x3FB0] =	sst s2  }
0xb: {  	[smem:$0x3FB1] =	sst s3  }
0xc: {  	[smem:$0x3FB2] =	sst s4  }
0xd: {  	[smem:$0x3FB3] =	sst s5  }
0xe: {  	[smem:$0x3FB4] =	sst s6  }
0xf: {  	[smem:$0x3FB5] =	sst s7  }
0x10: {  	[smem:$0x3FB6] =	sst s8  }
0x11: {  	[smem:$0x3FB7] =	sst s9;
	s0 =	simm.s32 @!p0 $0x0  }
0x12: {  	s1 =	sld [smem:$0x3F9D];
	s0 =	simm.s32 @p0 $0x1  }
0x13: {  	[smem:$0x3FB8] =	sst s0;
	s0 =	simm.s32 @!p1 $0x0  }
0x14: {  	s2 =	sld [smem:$0x3F9C];
	s0 =	simm.s32 @p1 $0x1  }
0x15: {  	[smem:$0x3FB9] =	sst s0;
	s0 =	simm.s32 @!p2 $0x0  }
0x16: {  	s3 =	sld [smem:$0x3FDB];
	s0 =	simm.s32 @p2 $0x1  }
0x17: {  	s4 =	simm.s32 $0x1BF5;
	[smem:$0x3FBB] =	sst s0  }
0x18: {  	s0 =	sld [smem:$0x3F9E];
	_ =	swait.ge [sflag:s4], $0x0  }
0x19: {  	s7 =	sld [smem:$0x3F9F]  }
0x1a: {  	s8 =	sadd.s32 $0xFFFFE003, lr  }
0x1b: {  	s9 =	sadd.s32 $0xFFFFFEF7, lr;
	s5 =	simm.s32 $0xFFFFFFFF;
	p2 =	slt.u32 s8, $0xFFFFF086  }
0x1c: {  	p1 =	slt.u32 s9, $0xF7A;
	s5 =	simm.s32 @!p2 $0x0  }
0x1d: {  	s5 =	simm.s32 @p1 $0x1;
	p0 =	seq.s32 s7, s2  }
0x1e: {  	s7 =	smul.u32 @!p0 $0xF7A, s2;
	p2 =	seq.s32 @!p0 s5, $0x0  }
0x1f: {  	s9 =	smul.u32 $0xF7A, s1;
	s8 =	simm.s32 @!p0 $0x1BF5;
	p2 =	por !p2, p0  }
0x20: {  	[sflag:s8] =	ssyncset.s32 @!p0 $0xFFFFF086;
	s6 =	sadd.s32 @!p0 s3, s7;
	s7 =	simm.s32 @!p0 $0x108  }
0x21: {  	s3 =	sadd.s32 s3, s9;
	s6 =	sadd.s32 @!p0 $0x88, s6;
	s7 =	simm.s32 @p2 $0x1082  }
0x22: {  	[simem:s7], [sflag:s8] =	dma.local @!p0 [hbm:s6], $0xF7A  }
0x23: {  	s9 =	sor.u32 $0xD0000000, s2;
	s6 =	simm.s32 $0x108;
	_ =	swait.ge @!p0 [sflag:s8], $0x0  }
0x24: {  	s3 =	sadd.s32 $0x88, s3;
	s6 =	simm.s32 @!p1 $0x1082;
	[sflag:s4] =	ssyncset.s32 $0xFFFFF086  }
0x25: {  	[simem:s6], [sflag:s4] =	dma.local [hbm:s3], $0xF7A  }
0x26: {  	[smem:$0x3F9F] =	sst s1;
	(tag) =	ssettag s2;
	_ =	strace s9  }
0x27: {  	s1 =	sld [smem:$0x3FAF]  }
0x28: {  	s2 =	sld [smem:$0x3FB0]  }
0x29: {  	s4 =	sld [smem:$0x3FB2]  }
0x2a: {  	p0 =	seq.s32 s5, $0x0;
	s5 =	sld [smem:$0x3FB3]  }
0x2b: {  	s6 =	sld [smem:$0x3FB4]  }
0x2c: {  	s7 =	sld [smem:$0x3FB5]  }
0x2d: {  	s3 =	simm.s32 $0x108;
	s8 =	sld [smem:$0x3FB6]  }
0x2e: {  	s3 =	simm.s32 @!p0 $0x1082;
	s9 =	sld [smem:$0x3FB7]  }
0x2f: {  	lr =	sadd.s32 s0, s3;
	s0 =	sld [smem:$0x3FAE]  }
0x30: {  	s3 =	sld [smem:$0x3FB1]  }
0x31: {  	[smem:$0x3FBA] =	sst s10  }
0x32: {  	s10 =	sld [smem:$0x3FB8];
	_ =	sdelay $0x3  }
0x33: {  	p0 =	seq.s32 s10, $0x1;
	s10 =	sld [smem:$0x3FBA];
	_ =	sdelay $0x3  }
0x34: {  	[smem:$0x3FBA] =	sst s10  }
0x35: {  	s10 =	sld [smem:$0x3FB9];
	_ =	sdelay $0x3  }
0x36: {  	p1 =	seq.s32 s10, $0x1;
	s10 =	sld [smem:$0x3FBA];
	_ =	sdelay $0x3  }
0x37: {  	[smem:$0x3FBA] =	sst s10  }
0x38: {  	s10 =	sld [smem:$0x3FBB]  }
0x39: {  	_ = 	snop;
	(pc) =	sbr.ind lr, $3  }
0x3a: {  	_ = 	snop  }
0x3b: {  	_ = 	snop  }
0x3c: {  	p2 =	seq.s32 s10, $0x1;
	s10 =	sld [smem:$0x3FBA]  }
0x3d: {  	_ =	shalt  }
0x3e: {  	_ =	shalt  }
0x3f: {  	_ =	shalt  }
0x40: {  	_ =	shalt  }
0x41: {  	_ =	shalt  }
0x42: {  	_ =	shalt  }
0x43: {  	_ =	shalt  }
0x44: {  	_ =	shalt  }
0x45: {  	_ =	shalt  }
0x46: {  	_ =	shalt  }
0x47: {  	_ =	shalt  }
0x48: {  	_ =	shalt  }
0x49: {  	_ =	shalt  }
0x4a: {  	_ =	shalt  }
0x4b: {  	_ =	shalt  }
0x4c: {  	_ =	shalt  }
0x4d: {  	_ =	shalt  }
0x4e: {  	_ =	shalt  }
0x4f: {  	_ =	shalt  }
0x50: {  	_ =	shalt  }
0x51: {  	_ =	shalt  }
0x52: {  	_ =	shalt  }
0x53: {  	_ =	shalt  }
0x54: {  	_ =	shalt  }
0x55: {  	_ =	shalt  }
0x56: {  	_ =	shalt  }
0x57: {  	_ =	shalt  }
0x58: {  	_ =	shalt  }
0x59: {  	_ =	shalt  }
0x5a: {  	_ =	shalt  }
0x5b: {  	_ =	shalt  }
0x5c: {  	_ =	shalt  }
0x5d: {  	_ =	shalt  }
0x5e: {  	_ =	shalt  }
0x5f: {  	_ =	shalt  }
0x60: {  	_ =	shalt  }
0x61: {  	_ =	shalt  }
0x62: {  	_ =	shalt  }
0x63: {  	_ =	shalt  }
0x64: {  	_ =	shalt  }
0x65: {  	_ =	shalt  }
0x66: {  	_ =	shalt  }
0x67: {  	_ =	shalt  }
0x68: {  	_ =	shalt  }
0x69: {  	_ =	shalt  }
0x6a: {  	_ =	shalt  }
0x6b: {  	_ =	shalt  }
0x6c: {  	_ =	shalt  }
0x6d: {  	_ =	shalt  }
0x6e: {  	_ =	shalt  }
0x6f: {  	_ =	shalt  }
0x70: {  	_ =	shalt  }
0x71: {  	_ =	shalt  }
0x72: {  	_ =	shalt  }
0x73: {  	_ =	shalt  }
0x74: {  	_ =	shalt  }
0x75: {  	_ =	shalt  }
0x76: {  	_ =	shalt  }
0x77: {  	_ =	shalt  }
0x78: {  	_ =	shalt  }
0x79: {  	_ =	shalt  }
0x7a: {  	_ =	shalt  }
0x7b: {  	_ =	shalt  }
0x7c: {  	_ =	shalt  }
0x7d: {  	_ =	shalt  }
0x7e: {  	_ =	shalt  }
0x7f: {  	_ =	shalt  }
0x80: {  	_ =	shalt  }
0x81: {  	_ =	shalt  }
0x82: {  	_ =	shalt  }
0x83: {  	_ =	shalt  }
0x84: {  	_ =	shalt  }
0x85: {  	_ =	shalt  }
0x86: {  	_ =	shalt  }
0x87: {  	_ =	shalt  }
.Lfunc_end0:
.L_simem_size_0:
called_computation.1_lowered:
.L_overlay_start_0:
0x88: {  	s2 =	sld [smem:$0x3FD9]  }
0x89: {  	s3 =	sld [smem:$0x3FFE];
	_ =	sdelay $0x1  }
0x8a: {  	s1 =	srdreg.scid  }
0x8b: {  	s0 =	sand.u32 $0x1, s1  }
0x8c: {  	s17 =	sshll.u32 s0, $0xA;
	s2 =	sadd.s32 s3, s2  }
0x8d: {  	s2 =	sadd.s32 s2, s17  }
0x8e: {  	[smem:$0x3FC6] =	sst s2  }
0x8f: {  	_ = 	snop  }
0x90: {  	s2 =	sld [smem:$0x3FD0];
	(tm) =	ssettm $0x1  }
0x91: {  	s18 =	sld [smem:$0x3FFB];
	_ =	sdelay $0x3  }
0x92: {  	_ =	strace s18  }
0x93: {  	s3 =	sld [smem:$0x3FFC];
	_ =	sdelay $0x3  }
0x94: {  	_ =	strace s3  }
0x95: {  	s3 =	sld [smem:$0x3FFD];
	_ =	sdelay $0x3  }
0x96: {  	_ =	strace s3  }
0x97: {  	_ =	strace $0x8FFFFFFF  }
0x98: {  	s19 =	sld [smem:$0x3FDB];
	_ =	sdelay $0x1  }
0x99: {  	s4 =	simm.s32 $_scs_section_size  }
0x9a: {  	s5 =	simm.s32 $_size__tile_overlayer_lowered;
	s6 =	simm.s32 $_tile_overlayer_lowered  }
0x9b: {  	s22 =	simm.s32 $0x1BFF;
	s21 =	sshll.u32 s6, $0x1;
	s3 =	sadd.s32 s4, s19  }
0x9c: {  	s7 =	simm.s32 $0x0;
	s20 =	sshll.u32 s5, $0x1;
	s5 =	sadd.s32 s21, s3  }
0x9d: {  	[timem:s7], [sflag:s22] =	dma.local [hbm:s5], s20  }
0x9e: {  	_ =	swait.ge [sflag:s22], s20  }
0x9f: {  	s4 =	ssub.s32 $0x0, s20;
	[sflag:s22] =	ssyncset.done $0x0  }
0xa0: {  	[sflag:s22] =	ssyncadd.s32 s4;
	_ =	sdelay $0x1  }
0xa1: {  	s23 =	simm.s32 $0x1B8B  }
0xa2: {  	_ =	swait.ge [sflag:s23], $0x1  }
0xa3: {  	[sflag:s23] =	ssyncset.done $0x0  }
0xa4: {  	s25 =	simm.s32 $0x1B8E;
	s24 =	sld [smem:$0x3FFE];
	[sflag:s23] =	ssyncadd.s32 $0xFFFFFFFF  }
0xa5: {  	s26 =	simm.s32 $execute0_lowered;
	[smem:$0x3FD2] =	sst s25  }
0xa6: {  	s5 =	sshll.u32 s26, $0x1;
	_ =	strace $0x80000046;
	[dreg:$0x1] =	wrdreg $0xFFFFFFFF  }
0xa7: {  	s28 =	simm.s32 $_size_execute0_lowered;
	s3 =	sadd.s32 s3, s5;
	[dreg:$0x0] =	wrdreg $0x0  }
0xa8: {  	s5 =	sshll.u32 s28, $0x1;
	[dreg:$0x2] =	wrdreg s3  }
0xa9: {  	[dreg:$0x3] =	wrdreg s5  }
0xaa: {  	[dreg:$0x4] =	wrdreg $0xC0  }
0xab: {  	_ =	task [dreg:s7], $0x5FFFF  }
0xac: {  	[dreg:$0x1] =	wrdreg $0xFFFFFFFF  }
0xad: {  	[dreg:$0x0] =	wrdreg $0x60  }
0xae: {  	[dreg:$0x2] =	wrdreg s24  }
0xaf: {  	[dreg:$0x3] =	wrdreg s2  }
0xb0: {  	[dreg:$0x4] =	wrdreg $0x9  }
0xb1: {  	_ =	task.clear_ibuf [dreg:s7], $0x5FFFF;
	_ =	strace $0x90000046  }
0xb2: {  	s29 =	simm.s32 $0x9;
	_ =	strace $0x80000048  }
0xb3: {  	_ =	swait.ge [sflag:s29], $0x1  }
0xb4: {  	[sflag:s29] =	ssyncadd.s32 $0xFFFFFFFF  }
0xb5: {  	_ =	strace $0x90000048  }
0xb6: {  	_ =	sfence  }
0xb7: {  	s30 =	sld [smem:$0x0];
	_ =	sdelay $0x2  }
0xb8: {  	s31 =	sshll.u32 s1, $0xD;
	s1 =	sshrl.u32 s1, $0x2  }
0xb9: {  	s3 =	sand.u32 $0x4000, s31;
	s1 =	sadd.s32 s1, s30  }
0xba: {  	s0 =	sor.u32 s3, s0;
	s1 =	sshll.u32 s1, $0x11  }
0xbb: {  	s0 =	sor.u32 s1, s0  }
0xbc: {  	s0 =	sadd.s32 $0x8F2B, s0  }
0xbd: {  	[sflag:s0] =	ssyncadd.remote.s32 $0x1  }
0xbe: {  	_ =	sfence.sel $0xFFFF  }
0xbf: {  	[dreg:$0x0] =	wrdreg $0xFFFFFFFF;
	(pc) =	sbr.abs _section_cstart, $3  }
0xc0: {  	[dreg:$0x1] =	wrdreg $0xFFFFFFFF  }
0xc1: {  	_ =	task.clear_ibuf [dreg:s7], $0x2FFFF;
	_ =	strace $0x9FFFFFFF  }
0xc2: {  	(tm) =	ssettm $0x7FFFFFFF  }
0xc3: {  	_ =	shalt  }
tec
execute0_lowered:
.L_overlay_start_1:
0x0: {  	(tag) =	ssettag $0x1  }
0x1: {  	s0 =	rddreg [dreg:$0x0]  }
0x2: {  	s1 =	rddreg [dreg:$0x1]  }
0x3: {  	s3 =	srdreg.scid;
	s2 =	simm.s32 $0x0;
	s9 =	stileid.u32  }
0x4: {  	s11 =	simm.s32 $0x9;
	s12 =	simm.s32 $0x32;
	s30 =	simm.s32 $0x0  }
0x5: {  	s5 =	sand.u32 $0x1, s3;
	[smem:$0x7FF] =	sst s2;
	s21 =	sshll.u32 s9, $0x6  }
0x6: {  	s6 =	sadd.s32 $0xA00, s0;
	s4 =	sshll.u32 s5, $0x5;
	s22 =	ssub.s32 $0x2, s5  }
0x7: {  	s8 =	smul.u32 $0x1C00, s9;
	s3 =	sor.u32 s4, s21;
	s23 =	sshrl.u32 s22, $0x1  }
0x8: {  	s7 =	smul.u32 $0x70, s3;
	s3 =	sadd.s32 $0xF42E00, s0;
	s0 =	ssub.s32 s22, s23  }
0x9: {  	s28 =	smul.u32 $0x32000, s9;
	_ =	strace $0x80000047;
	s0 =	smax.u32 s0, $0x1  }
0xa: {  	s25 =	smul.u32 $0xE00, s5;
	s24 =	sadd.s32 s6, s7;
	[dreg:$0x4] =	wrdreg s0  }
0xb: {  	s5 =	smul.u32 $0x19000, s5;
	s26 =	sadd.s32 $0x70, s24;
	[dreg:$0x3] =	wrdreg s24  }
0xc: {  	s6 =	sadd.s32 s8, s6;
	s29 =	sadd.s32 $0xE0, s24;
	[dreg:$0x5] =	wrdreg s26  }
0xd: {  	s4 =	sadd.s32 $0x150, s24;
	s6 =	sadd.s32 s25, s6;
	[dreg:$0x6] =	wrdreg s29  }
0xe: {  	s0 =	sadd.s32 s28, s1;
	[dreg:$0x7] =	wrdreg s4;
	s31 =	sadd.s32 $0x1C0, s6  }
0xf: {  	s1 =	simm.s32 $0xA80;
	s10 =	sadd.s32 s5, s0;
	[dreg:$0x8] =	wrdreg s31  }
.LBB2_1:
0x10: {  	s0 =	rddreg [dreg:$0x3]  }
0x11: {  	[tilespmem:s2], [sflag:$0x9] =	stream.linear.gather [hbm4b:s0+s2], $0x380, $0x38;
	[tilespmem:$0x19E00] =	vst v63  }
0x12: {  	_ =	swait.ge [sflag:s11], $0x380  }
0x13: {  	[sflag:s11] =	ssyncset.done $0x0  }
0x14: {  	s6 =	simm.s32 $0xE00;
	[sflag:s11] =	ssyncadd.s32 $0xFFFFFC80  }
0x15: {  	[tilespmem:s6], [sflag:$0x1] =	stream.indirect.gather [hbm4b:s3+s12], $0x20, s2, s12, $0xb8;
	[tilespmem:$0x19E00] =	vst v63  }
0x16: {  	s7 =	simm.s32 $0x38;
	s4 =	simm.s32 $0x1440  }
0x17: {  	[tilespmem:s4], [sflag:$0x1] =	stream.indirect.gather [hbm4b:s3+s12], $0x20, s7, s12, $0xb8;
	[tilespmem:$0x19E00] =	vst v63  }
0x18: {  	s8 =	simm.s32 $0x70;
	s9 =	simm.s32 $0x1A80  }
0x19: {  	[tilespmem:s9], [sflag:$0x1] =	stream.indirect.gather [hbm4b:s3+s12], $0x20, s8, s12, $0xb8;
	[tilespmem:$0x19E00] =	vst v63  }
0x1a: {  	s13 =	simm.s32 $0xA8;
	s14 =	simm.s32 $0x20C0  }
0x1b: {  	[tilespmem:s14], [sflag:$0x1] =	stream.indirect.gather [hbm4b:s3+s12], $0x20, s13, s12, $0xb8;
	[tilespmem:$0x19E00] =	vst v63  }
0x1c: {  	s15 =	simm.s32 $0xE0;
	s16 =	simm.s32 $0x2700  }
0x1d: {  	[tilespmem:s16], [sflag:$0x1] =	stream.indirect.gather [hbm4b:s3+s12], $0x20, s15, s12, $0xb8;
	[tilespmem:$0x19E00] =	vst v63  }
0x1e: {  	s17 =	simm.s32 $0x118;
	s18 =	simm.s32 $0x2D40  }
0x1f: {  	[tilespmem:s18], [sflag:$0x1] =	stream.indirect.gather [hbm4b:s3+s12], $0x20, s17, s12, $0xb8;
	[tilespmem:$0x19E00] =	vst v63  }
0x20: {  	s19 =	simm.s32 $0x150;
	s20 =	simm.s32 $0x3380  }
0x21: {  	[tilespmem:s20], [sflag:$0x1] =	stream.indirect.gather [hbm4b:s3+s12], $0x20, s19, s12, $0xb8;
	[tilespmem:$0x19E00] =	vst v63  }
0x22: {  	s21 =	simm.s32 $0x188;
	s22 =	simm.s32 $0x39C0  }
0x23: {  	[tilespmem:s22], [sflag:$0x1] =	stream.indirect.gather [hbm4b:s3+s12], $0x20, s21, s12, $0xb8;
	[tilespmem:$0x19E00] =	vst v63  }
0x24: {  	s23 =	simm.s32 $0x1C0;
	s24 =	simm.s32 $0x4000  }
0x25: {  	[tilespmem:s24], [sflag:$0x1] =	stream.indirect.gather [hbm4b:s3+s12], $0x20, s23, s12, $0xb8;
	[tilespmem:$0x19E00] =	vst v63  }
0x26: {  	s25 =	simm.s32 $0x1F8;
	s26 =	simm.s32 $0x4640  }
0x27: {  	[tilespmem:s26], [sflag:$0x1] =	stream.indirect.gather [hbm4b:s3+s12], $0x20, s25, s12, $0xb8;
	[tilespmem:$0x19E00] =	vst v63  }
0x28: {  	s28 =	simm.s32 $0x230;
	s29 =	simm.s32 $0x4C80  }
0x29: {  	[tilespmem:s29], [sflag:$0x1] =	stream.indirect.gather [hbm4b:s3+s12], $0x20, s28, s12, $0xb8;
	[tilespmem:$0x19E00] =	vst v63  }
0x2a: {  	s5 =	simm.s32 $0x268;
	s6 =	simm.s32 $0x52C0  }
0x2b: {  	[tilespmem:s6], [sflag:$0x1] =	stream.indirect.gather [hbm4b:s3+s12], $0x20, s5, s12, $0xb8;
	[tilespmem:$0x19E00] =	vst v63  }
0x2c: {  	s7 =	simm.s32 $0x2A0;
	s8 =	simm.s32 $0x5900  }
0x2d: {  	[tilespmem:s8], [sflag:$0x1] =	stream.indirect.gather [hbm4b:s3+s12], $0x20, s7, s12, $0xb8;
	[tilespmem:$0x19E00] =	vst v63  }
0x2e: {  	s9 =	simm.s32 $0x2D8;
	s13 =	simm.s32 $0x5F40  }
0x2f: {  	[tilespmem:s13], [sflag:$0x1] =	stream.indirect.gather [hbm4b:s3+s12], $0x20, s9, s12, $0xb8;
	[tilespmem:$0x19E00] =	vst v63  }
0x30: {  	s14 =	simm.s32 $0x310;
	s15 =	simm.s32 $0x6580  }
0x31: {  	[tilespmem:s15], [sflag:$0x1] =	stream.indirect.gather [hbm4b:s3+s12], $0x20, s14, s12, $0xb8;
	[tilespmem:$0x19E00] =	vst v63  }
0x32: {  	s16 =	simm.s32 $0x348;
	s17 =	simm.s32 $0x6BC0  }
0x33: {  	[tilespmem:s17], [sflag:$0x1] =	stream.indirect.gather [hbm4b:s3+s12], $0x20, s16, s12, $0xb8;
	[tilespmem:$0x19E00] =	vst v63  }
0x34: {  	s18 =	rddreg [dreg:$0x5];
	s19 =	simm.s32 $0x380  }
0x35: {  	[tilespmem:s19], [sflag:$0x9] =	stream.linear.gather [hbm4b:s18+s2], $0x380, $0x38;
	[tilespmem:$0x19E00] =	vst v63  }
0x36: {  	_ =	swait.ge [sflag:s11], $0x380  }
0x37: {  	[sflag:s11] =	ssyncset.done $0x0  }
0x38: {  	s20 =	simm.s32 $0x7200;
	[sflag:s11] =	ssyncadd.s32 $0xFFFFFC80  }
0x39: {  	[tilespmem:s20], [sflag:$0x2] =	stream.indirect.gather [hbm4b:s3+s12], $0x20, s19, s12, $0xb8;
	[tilespmem:$0x19E00] =	vst v63  }
0x3a: {  	s21 =	simm.s32 $0x3B8;
	s22 =	simm.s32 $0x7840  }
0x3b: {  	[tilespmem:s22], [sflag:$0x2] =	stream.indirect.gather [hbm4b:s3+s12], $0x20, s21, s12, $0xb8;
	[tilespmem:$0x19E00] =	vst v63  }
0x3c: {  	s23 =	simm.s32 $0x3F0;
	s24 =	simm.s32 $0x7E80  }
0x3d: {  	[tilespmem:s24], [sflag:$0x2] =	stream.indirect.gather [hbm4b:s3+s12], $0x20, s23, s12, $0xb8;
	[tilespmem:$0x19E00] =	vst v63  }
0x3e: {  	s25 =	simm.s32 $0x428;
	s26 =	simm.s32 $0x84C0  }
0x3f: {  	[tilespmem:s26], [sflag:$0x2] =	stream.indirect.gather [hbm4b:s3+s12], $0x20, s25, s12, $0xb8;
	[tilespmem:$0x19E00] =	vst v63  }
0x40: {  	s28 =	simm.s32 $0x460;
	s29 =	simm.s32 $0x8B00  }
0x41: {  	[tilespmem:s29], [sflag:$0x2] =	stream.indirect.gather [hbm4b:s3+s12], $0x20, s28, s12, $0xb8;
	[tilespmem:$0x19E00] =	vst v63  }
0x42: {  	s4 =	simm.s32 $0x498;
	s5 =	simm.s32 $0x9140  }
0x43: {  	[tilespmem:s5], [sflag:$0x2] =	stream.indirect.gather [hbm4b:s3+s12], $0x20, s4, s12, $0xb8;
	[tilespmem:$0x19E00] =	vst v63  }
0x44: {  	s6 =	simm.s32 $0x4D0;
	s7 =	simm.s32 $0x9780  }
0x45: {  	[tilespmem:s7], [sflag:$0x2] =	stream.indirect.gather [hbm4b:s3+s12], $0x20, s6, s12, $0xb8;
	[tilespmem:$0x19E00] =	vst v63  }
0x46: {  	s8 =	simm.s32 $0x508;
	s9 =	simm.s32 $0x9DC0  }
0x47: {  	[tilespmem:s9], [sflag:$0x2] =	stream.indirect.gather [hbm4b:s3+s12], $0x20, s8, s12, $0xb8;
	[tilespmem:$0x19E00] =	vst v63  }
0x48: {  	s13 =	simm.s32 $0x540;
	s14 =	simm.s32 $0xA400  }
0x49: {  	[tilespmem:s14], [sflag:$0x2] =	stream.indirect.gather [hbm4b:s3+s12], $0x20, s13, s12, $0xb8;
	[tilespmem:$0x19E00] =	vst v63  }
0x4a: {  	s15 =	simm.s32 $0x578;
	s16 =	simm.s32 $0xAA40  }
0x4b: {  	[tilespmem:s16], [sflag:$0x2] =	stream.indirect.gather [hbm4b:s3+s12], $0x20, s15, s12, $0xb8;
	[tilespmem:$0x19E00] =	vst v63  }
0x4c: {  	s17 =	simm.s32 $0x5B0;
	s18 =	simm.s32 $0xB080  }
0x4d: {  	[tilespmem:s18], [sflag:$0x2] =	stream.indirect.gather [hbm4b:s3+s12], $0x20, s17, s12, $0xb8;
	[tilespmem:$0x19E00] =	vst v63  }
0x4e: {  	s19 =	simm.s32 $0x5E8;
	s20 =	simm.s32 $0xB6C0  }
0x4f: {  	[tilespmem:s20], [sflag:$0x2] =	stream.indirect.gather [hbm4b:s3+s12], $0x20, s19, s12, $0xb8;
	[tilespmem:$0x19E00] =	vst v63  }
0x50: {  	s21 =	simm.s32 $0x620;
	s22 =	simm.s32 $0xBD00  }
0x51: {  	[tilespmem:s22], [sflag:$0x2] =	stream.indirect.gather [hbm4b:s3+s12], $0x20, s21, s12, $0xb8;
	[tilespmem:$0x19E00] =	vst v63  }
0x52: {  	s23 =	simm.s32 $0x658;
	s24 =	simm.s32 $0xC340  }
0x53: {  	[tilespmem:s24], [sflag:$0x2] =	stream.indirect.gather [hbm4b:s3+s12], $0x20, s23, s12, $0xb8;
	[tilespmem:$0x19E00] =	vst v63  }
0x54: {  	s25 =	simm.s32 $0x690;
	s26 =	simm.s32 $0xC980  }
0x55: {  	[tilespmem:s26], [sflag:$0x2] =	stream.indirect.gather [hbm4b:s3+s12], $0x20, s25, s12, $0xb8;
	[tilespmem:$0x19E00] =	vst v63  }
0x56: {  	s28 =	simm.s32 $0x6C8;
	s29 =	simm.s32 $0xCFC0  }
0x57: {  	[tilespmem:s29], [sflag:$0x2] =	stream.indirect.gather [hbm4b:s3+s12], $0x20, s28, s12, $0xb8;
	[tilespmem:$0x19E00] =	vst v63  }
0x58: {  	s5 =	rddreg [dreg:$0x6];
	s6 =	simm.s32 $0x700  }
0x59: {  	[tilespmem:s6], [sflag:$0x9] =	stream.linear.gather [hbm4b:s5+s2], $0x380, $0x38;
	[tilespmem:$0x19E00] =	vst v63  }
0x5a: {  	_ =	swait.ge [sflag:s11], $0x380  }
0x5b: {  	[sflag:s11] =	ssyncset.done $0x0  }
0x5c: {  	s7 =	simm.s32 $0xD600;
	[sflag:s11] =	ssyncadd.s32 $0xFFFFFC80  }
0x5d: {  	[tilespmem:s7], [sflag:$0x3] =	stream.indirect.gather [hbm4b:s3+s12], $0x20, s6, s12, $0xb8;
	[tilespmem:$0x19E00] =	vst v63  }
0x5e: {  	s8 =	simm.s32 $0x738;
	s9 =	simm.s32 $0xDC40  }
0x5f: {  	[tilespmem:s9], [sflag:$0x3] =	stream.indirect.gather [hbm4b:s3+s12], $0x20, s8, s12, $0xb8;
	[tilespmem:$0x19E00] =	vst v63  }
0x60: {  	s13 =	simm.s32 $0x770;
	s14 =	simm.s32 $0xE280  }
0x61: {  	[tilespmem:s14], [sflag:$0x3] =	stream.indirect.gather [hbm4b:s3+s12], $0x20, s13, s12, $0xb8;
	[tilespmem:$0x19E00] =	vst v63  }
0x62: {  	s15 =	simm.s32 $0x7A8;
	s16 =	simm.s32 $0xE8C0  }
0x63: {  	[tilespmem:s16], [sflag:$0x3] =	stream.indirect.gather [hbm4b:s3+s12], $0x20, s15, s12, $0xb8;
	[tilespmem:$0x19E00] =	vst v63  }
0x64: {  	s17 =	simm.s32 $0x7E0;
	s18 =	simm.s32 $0xEF00  }
0x65: {  	[tilespmem:s18], [sflag:$0x3] =	stream.indirect.gather [hbm4b:s3+s12], $0x20, s17, s12, $0xb8;
	[tilespmem:$0x19E00] =	vst v63  }
0x66: {  	s19 =	simm.s32 $0x818;
	s20 =	simm.s32 $0xF540  }
0x67: {  	[tilespmem:s20], [sflag:$0x3] =	stream.indirect.gather [hbm4b:s3+s12], $0x20, s19, s12, $0xb8;
	[tilespmem:$0x19E00] =	vst v63  }
0x68: {  	s21 =	simm.s32 $0x850;
	s22 =	simm.s32 $0xFB80  }
0x69: {  	[tilespmem:s22], [sflag:$0x3] =	stream.indirect.gather [hbm4b:s3+s12], $0x20, s21, s12, $0xb8;
	[tilespmem:$0x19E00] =	vst v63  }
0x6a: {  	s23 =	simm.s32 $0x888;
	s24 =	simm.s32 $0x101C0  }
0x6b: {  	[tilespmem:s24], [sflag:$0x3] =	stream.indirect.gather [hbm4b:s3+s12], $0x20, s23, s12, $0xb8;
	[tilespmem:$0x19E00] =	vst v63  }
0x6c: {  	s25 =	simm.s32 $0x8C0;
	s26 =	simm.s32 $0x10800  }
0x6d: {  	[tilespmem:s26], [sflag:$0x3] =	stream.indirect.gather [hbm4b:s3+s12], $0x20, s25, s12, $0xb8;
	[tilespmem:$0x19E00] =	vst v63  }
0x6e: {  	s28 =	simm.s32 $0x8F8;
	s29 =	simm.s32 $0x10E40  }
0x6f: {  	[tilespmem:s29], [sflag:$0x3] =	stream.indirect.gather [hbm4b:s3+s12], $0x20, s28, s12, $0xb8;
	[tilespmem:$0x19E00] =	vst v63  }
0x70: {  	s4 =	simm.s32 $0x930;
	s5 =	simm.s32 $0x11480  }
0x71: {  	[tilespmem:s5], [sflag:$0x3] =	stream.indirect.gather [hbm4b:s3+s12], $0x20, s4, s12, $0xb8;
	[tilespmem:$0x19E00] =	vst v63  }
0x72: {  	s6 =	simm.s32 $0x968;
	s7 =	simm.s32 $0x11AC0  }
0x73: {  	[tilespmem:s7], [sflag:$0x3] =	stream.indirect.gather [hbm4b:s3+s12], $0x20, s6, s12, $0xb8;
	[tilespmem:$0x19E00] =	vst v63  }
0x74: {  	s8 =	simm.s32 $0x9A0;
	s9 =	simm.s32 $0x12100  }
0x75: {  	[tilespmem:s9], [sflag:$0x3] =	stream.indirect.gather [hbm4b:s3+s12], $0x20, s8, s12, $0xb8;
	[tilespmem:$0x19E00] =	vst v63  }
0x76: {  	s13 =	simm.s32 $0x9D8;
	s14 =	simm.s32 $0x12740  }
0x77: {  	[tilespmem:s14], [sflag:$0x3] =	stream.indirect.gather [hbm4b:s3+s12], $0x20, s13, s12, $0xb8;
	[tilespmem:$0x19E00] =	vst v63  }
0x78: {  	s15 =	simm.s32 $0xA10;
	s16 =	simm.s32 $0x12D80  }
0x79: {  	[tilespmem:s16], [sflag:$0x3] =	stream.indirect.gather [hbm4b:s3+s12], $0x20, s15, s12, $0xb8;
	[tilespmem:$0x19E00] =	vst v63  }
0x7a: {  	s17 =	simm.s32 $0xA48;
	s18 =	simm.s32 $0x133C0  }
0x7b: {  	[tilespmem:s18], [sflag:$0x3] =	stream.indirect.gather [hbm4b:s3+s12], $0x20, s17, s12, $0xb8;
	[tilespmem:$0x19E00] =	vst v63  }
0x7c: {  	s19 =	rddreg [dreg:$0x7]  }
0x7d: {  	[tilespmem:s1], [sflag:$0x9] =	stream.linear.gather [hbm4b:s19+s2], $0x380, $0x38;
	[tilespmem:$0x19E00] =	vst v63  }
0x7e: {  	_ =	swait.ge [sflag:s11], $0x380  }
0x7f: {  	[sflag:s11] =	ssyncset.done $0x0  }
0x80: {  	s20 =	simm.s32 $0x13A00;
	[sflag:s11] =	ssyncadd.s32 $0xFFFFFC80  }
0x81: {  	[tilespmem:s20], [sflag:$0x4] =	stream.indirect.gather [hbm4b:s3+s12], $0x20, s1, s12, $0xb8;
	[tilespmem:$0x19E00] =	vst v63  }
0x82: {  	s21 =	simm.s32 $0xAB8;
	s22 =	simm.s32 $0x14040  }
0x83: {  	[tilespmem:s22], [sflag:$0x4] =	stream.indirect.gather [hbm4b:s3+s12], $0x20, s21, s12, $0xb8;
	[tilespmem:$0x19E00] =	vst v63  }
0x84: {  	s23 =	simm.s32 $0xAF0;
	s24 =	simm.s32 $0x14680  }
0x85: {  	[tilespmem:s24], [sflag:$0x4] =	stream.indirect.gather [hbm4b:s3+s12], $0x20, s23, s12, $0xb8;
	[tilespmem:$0x19E00] =	vst v63  }
0x86: {  	s25 =	simm.s32 $0xB28;
	s26 =	simm.s32 $0x14CC0  }
0x87: {  	[tilespmem:s26], [sflag:$0x4] =	stream.indirect.gather [hbm4b:s3+s12], $0x20, s25, s12, $0xb8;
	[tilespmem:$0x19E00] =	vst v63  }
0x88: {  	s28 =	simm.s32 $0xB60;
	s29 =	simm.s32 $0x15300  }
0x89: {  	[tilespmem:s29], [sflag:$0x4] =	stream.indirect.gather [hbm4b:s3+s12], $0x20, s28, s12, $0xb8;
	[tilespmem:$0x19E00] =	vst v63  }
0x8a: {  	s4 =	simm.s32 $0xB98;
	s5 =	simm.s32 $0x15940  }
0x8b: {  	[tilespmem:s5], [sflag:$0x4] =	stream.indirect.gather [hbm4b:s3+s12], $0x20, s4, s12, $0xb8;
	[tilespmem:$0x19E00] =	vst v63  }
0x8c: {  	s6 =	simm.s32 $0xBD0;
	s7 =	simm.s32 $0x15F80  }
0x8d: {  	[tilespmem:s7], [sflag:$0x4] =	stream.indirect.gather [hbm4b:s3+s12], $0x20, s6, s12, $0xb8;
	[tilespmem:$0x19E00] =	vst v63  }
0x8e: {  	s8 =	simm.s32 $0xC08;
	s9 =	simm.s32 $0x165C0  }
0x8f: {  	[tilespmem:s9], [sflag:$0x4] =	stream.indirect.gather [hbm4b:s3+s12], $0x20, s8, s12, $0xb8;
	[tilespmem:$0x19E00] =	vst v63  }
0x90: {  	s13 =	simm.s32 $0xC40;
	s14 =	simm.s32 $0x16C00  }
0x91: {  	[tilespmem:s14], [sflag:$0x4] =	stream.indirect.gather [hbm4b:s3+s12], $0x20, s13, s12, $0xb8;
	[tilespmem:$0x19E00] =	vst v63  }
0x92: {  	s15 =	simm.s32 $0xC78;
	s16 =	simm.s32 $0x17240  }
0x93: {  	[tilespmem:s16], [sflag:$0x4] =	stream.indirect.gather [hbm4b:s3+s12], $0x20, s15, s12, $0xb8;
	[tilespmem:$0x19E00] =	vst v63  }
0x94: {  	s17 =	simm.s32 $0xCB0;
	s18 =	simm.s32 $0x17880  }
0x95: {  	[tilespmem:s18], [sflag:$0x4] =	stream.indirect.gather [hbm4b:s3+s12], $0x20, s17, s12, $0xb8;
	[tilespmem:$0x19E00] =	vst v63  }
0x96: {  	s19 =	simm.s32 $0xCE8;
	s20 =	simm.s32 $0x17EC0  }
0x97: {  	[tilespmem:s20], [sflag:$0x4] =	stream.indirect.gather [hbm4b:s3+s12], $0x20, s19, s12, $0xb8;
	[tilespmem:$0x19E00] =	vst v63  }
0x98: {  	s21 =	simm.s32 $0xD20;
	s22 =	simm.s32 $0x18500  }
0x99: {  	[tilespmem:s22], [sflag:$0x4] =	stream.indirect.gather [hbm4b:s3+s12], $0x20, s21, s12, $0xb8;
	[tilespmem:$0x19E00] =	vst v63  }
0x9a: {  	s23 =	simm.s32 $0xD58;
	s24 =	simm.s32 $0x18B40  }
0x9b: {  	[tilespmem:s24], [sflag:$0x4] =	stream.indirect.gather [hbm4b:s3+s12], $0x20, s23, s12, $0xb8;
	[tilespmem:$0x19E00] =	vst v63  }
.Ltmp0:
0x9c: {  	s31 =	simm.s32 $0x0;
	(pc) =	sbr.rel .LBB2_2-.Ltmp0, $4  }
0x9d: {  	s25 =	simm.s32 $0xD90;
	s26 =	simm.s32 $0x19180;
	s28 =	simm.s32 $0xDC8  }
0x9e: {  	[tilespmem:s26], [sflag:$0x4] =	stream.indirect.gather [hbm4b:s3+s12], $0x20, s25, s12, $0xb8;
	[tilespmem:$0x19E00] =	vst v63  }
0x9f: {  	s29 =	simm.s32 $0x197C0;
	s9 =	rddreg [dreg:$0x8];
	s13 =	simm.s32 $0x0  }
0xa0: {  	[tilespmem:s29], [sflag:$0x4] =	stream.indirect.gather [hbm4b:s3+s12], $0x20, s28, s12, $0xb8;
	[tilespmem:$0x19E00] =	vst v63  }
.LBB2_4:
0xa1: {  	s31 =	sadd.s32 $0xC80, s31  }
0xa2: {  	p0 =	sne.s32 s31, $0x19000  }
.Ltmp1:
0xa3: {  	_ = 	snop;
	(pc) =	sbr.rel @!p0 .LBB2_5-.Ltmp1, $2  }
0xa4: {  	_ =	sdelay $0x2  }
0xa5: {  	s13 =	sadd.s32 $0x1, s13;
	s9 =	sadd.s32 $0x70, s9  }
.LBB2_2:
0xa6: {  	s15 =	sand.u32 $0x3, s13  }
0xa7: {  	s14 =	sadd.s32 $0x1, s15  }
0xa8: {  	_ =	swait.ge [sflag:s14], $0x640  }
0xa9: {  	[sflag:s14] =	ssyncset.done $0x0  }
0xaa: {  	[sflag:s14] =	ssyncadd.s32 $0xFFFFF9C0  }
0xab: {  	_ =	swait.ge [sflag:s14], $0x640  }
0xac: {  	[sflag:s14] =	ssyncset.done $0x0  }
0xad: {  	[sflag:s14] =	ssyncadd.s32 $0xFFFFF9C0  }
0xae: {  	_ =	swait.ge [sflag:s14], $0x640  }
0xaf: {  	[sflag:s14] =	ssyncset.done $0x0  }
0xb0: {  	[sflag:s14] =	ssyncadd.s32 $0xFFFFF9C0  }
0xb1: {  	_ =	swait.ge [sflag:s14], $0x640  }
0xb2: {  	[sflag:s14] =	ssyncset.done $0x0  }
0xb3: {  	[sflag:s14] =	ssyncadd.s32 $0xFFFFF9C0  }
0xb4: {  	_ =	swait.ge [sflag:s14], $0x640  }
0xb5: {  	[sflag:s14] =	ssyncset.done $0x0  }
0xb6: {  	[sflag:s14] =	ssyncadd.s32 $0xFFFFF9C0  }
0xb7: {  	_ =	swait.ge [sflag:s14], $0x640  }
0xb8: {  	[sflag:s14] =	ssyncset.done $0x0  }
0xb9: {  	[sflag:s14] =	ssyncadd.s32 $0xFFFFF9C0  }
0xba: {  	_ =	swait.ge [sflag:s14], $0x640  }
0xbb: {  	[sflag:s14] =	ssyncset.done $0x0  }
0xbc: {  	[sflag:s14] =	ssyncadd.s32 $0xFFFFF9C0  }
0xbd: {  	_ =	swait.ge [sflag:s14], $0x640  }
0xbe: {  	[sflag:s14] =	ssyncset.done $0x0  }
0xbf: {  	[sflag:s14] =	ssyncadd.s32 $0xFFFFF9C0  }
0xc0: {  	_ =	swait.ge [sflag:s14], $0x640  }
0xc1: {  	[sflag:s14] =	ssyncset.done $0x0  }
0xc2: {  	[sflag:s14] =	ssyncadd.s32 $0xFFFFF9C0  }
0xc3: {  	_ =	swait.ge [sflag:s14], $0x640  }
0xc4: {  	[sflag:s14] =	ssyncset.done $0x0  }
0xc5: {  	[sflag:s14] =	ssyncadd.s32 $0xFFFFF9C0  }
0xc6: {  	_ =	swait.ge [sflag:s14], $0x640  }
0xc7: {  	[sflag:s14] =	ssyncset.done $0x0  }
0xc8: {  	[sflag:s14] =	ssyncadd.s32 $0xFFFFF9C0  }
0xc9: {  	_ =	swait.ge [sflag:s14], $0x640  }
0xca: {  	[sflag:s14] =	ssyncset.done $0x0  }
0xcb: {  	[sflag:s14] =	ssyncadd.s32 $0xFFFFF9C0  }
0xcc: {  	_ =	swait.ge [sflag:s14], $0x640  }
0xcd: {  	[sflag:s14] =	ssyncset.done $0x0  }
0xce: {  	[sflag:s14] =	ssyncadd.s32 $0xFFFFF9C0  }
0xcf: {  	_ =	swait.ge [sflag:s14], $0x640  }
0xd0: {  	[sflag:s14] =	ssyncset.done $0x0  }
0xd1: {  	[sflag:s14] =	ssyncadd.s32 $0xFFFFF9C0  }
0xd2: {  	_ =	swait.ge [sflag:s14], $0x640  }
0xd3: {  	[sflag:s14] =	ssyncset.done $0x0  }
0xd4: {  	s0 =	smul.u32 $0x19000, s15;
	[sflag:s14] =	ssyncadd.s32 $0xFFFFF9C0  }
0xd5: {  	_ =	swait.ge [sflag:s14], $0x640  }
0xd6: {  	s4 =	sadd.s32 s31, s10;
	s24 =	sshrl.u32 s0, $0x2;
	[sflag:s14] =	ssyncset.done $0x0  }
0xd7: {  	s21 =	sadd.s32 $0x5, s15;
	s16 =	sadd.s32 $0xE00, s24;
	[sflag:s14] =	ssyncadd.s32 $0xFFFFF9C0  }
0xd8: {  	[hbm4b:s4+s2] =	stream.linear.scatter [tilespmem:s16], [sflag:s21], $0x640, $0x38;
	[tilespmem:$0x19E00] =	vst v63  }
0xd9: {  	s23 =	sadd.s32 $0xC8, s4;
	s18 =	sadd.s32 $0x1440, s24  }
0xda: {  	[hbm4b:s23+s2] =	stream.linear.scatter [tilespmem:s18], [sflag:s21], $0x640, $0x38;
	[tilespmem:$0x19E00] =	vst v63  }
0xdb: {  	s25 =	sadd.s32 $0x190, s4;
	s19 =	sadd.s32 $0x1A80, s24  }
0xdc: {  	[hbm4b:s25+s2] =	stream.linear.scatter [tilespmem:s19], [sflag:s21], $0x640, $0x38;
	[tilespmem:$0x19E00] =	vst v63  }
0xdd: {  	s26 =	sadd.s32 $0x258, s4;
	s20 =	sadd.s32 $0x20C0, s24  }
0xde: {  	[hbm4b:s26+s2] =	stream.linear.scatter [tilespmem:s20], [sflag:s21], $0x640, $0x38;
	[tilespmem:$0x19E00] =	vst v63  }
0xdf: {  	s5 =	sadd.s32 $0x320, s4;
	s22 =	sadd.s32 $0x2700, s24  }
0xe0: {  	[hbm4b:s5+s2] =	stream.linear.scatter [tilespmem:s22], [sflag:s21], $0x640, $0x38;
	[tilespmem:$0x19E00] =	vst v63  }
0xe1: {  	s6 =	sadd.s32 $0x3E8, s4;
	s23 =	sadd.s32 $0x2D40, s24  }
0xe2: {  	[hbm4b:s6+s2] =	stream.linear.scatter [tilespmem:s23], [sflag:s21], $0x640, $0x38;
	[tilespmem:$0x19E00] =	vst v63  }
0xe3: {  	s7 =	sadd.s32 $0x4B0, s4;
	s25 =	sadd.s32 $0x3380, s24  }
0xe4: {  	[hbm4b:s7+s2] =	stream.linear.scatter [tilespmem:s25], [sflag:s21], $0x640, $0x38;
	[tilespmem:$0x19E00] =	vst v63  }
0xe5: {  	s8 =	sadd.s32 $0x578, s4;
	s26 =	sadd.s32 $0x39C0, s24  }
0xe6: {  	[hbm4b:s8+s2] =	stream.linear.scatter [tilespmem:s26], [sflag:s21], $0x640, $0x38;
	[tilespmem:$0x19E00] =	vst v63  }
0xe7: {  	s17 =	sadd.s32 $0x640, s4;
	s28 =	sadd.s32 $0x4000, s24  }
0xe8: {  	[hbm4b:s17+s2] =	stream.linear.scatter [tilespmem:s28], [sflag:s21], $0x640, $0x38;
	[tilespmem:$0x19E00] =	vst v63  }
0xe9: {  	s29 =	sadd.s32 $0x4640, s24;
	s5 =	sadd.s32 $0x708, s4  }
0xea: {  	[hbm4b:s5+s2] =	stream.linear.scatter [tilespmem:s29], [sflag:s21], $0x640, $0x38;
	[tilespmem:$0x19E00] =	vst v63  }
0xeb: {  	s6 =	sadd.s32 $0x7D0, s4;
	s5 =	sadd.s32 $0x4C80, s24  }
0xec: {  	[hbm4b:s6+s2] =	stream.linear.scatter [tilespmem:s5], [sflag:s21], $0x640, $0x38;
	[tilespmem:$0x19E00] =	vst v63  }
0xed: {  	s7 =	sadd.s32 $0x898, s4;
	s6 =	sadd.s32 $0x52C0, s24  }
0xee: {  	[hbm4b:s7+s2] =	stream.linear.scatter [tilespmem:s6], [sflag:s21], $0x640, $0x38;
	[tilespmem:$0x19E00] =	vst v63  }
0xef: {  	s8 =	sadd.s32 $0x960, s4;
	s7 =	sadd.s32 $0x5900, s24  }
0xf0: {  	[hbm4b:s8+s2] =	stream.linear.scatter [tilespmem:s7], [sflag:s21], $0x640, $0x38;
	[tilespmem:$0x19E00] =	vst v63  }
0xf1: {  	p0 =	sgt.u32 s13, $0x1B;
	s17 =	sadd.s32 $0xA28, s4;
	s8 =	sadd.s32 $0x5F40, s24  }
0xf2: {  	[hbm4b:s17+s2] =	stream.linear.scatter [tilespmem:s8], [sflag:s21], $0x640, $0x38;
	[tilespmem:$0x19E00] =	vst v63  }
.Ltmp2:
0xf3: {  	_ = 	snop;
	(pc) =	sbr.rel @p0 .LBB2_4-.Ltmp2, $4  }
0xf4: {  	s0 =	sadd.s32 $0x6580, s24;
	s17 =	sadd.s32 $0xAF0, s4  }
0xf5: {  	[hbm4b:s17+s2] =	stream.linear.scatter [tilespmem:s0], [sflag:s21], $0x640, $0x38;
	[tilespmem:$0x19E00] =	vst v63  }
0xf6: {  	s24 =	sadd.s32 $0x6BC0, s24;
	s4 =	sadd.s32 $0xBB8, s4  }
0xf7: {  	[hbm4b:s4+s2] =	stream.linear.scatter [tilespmem:s24], [sflag:s21], $0x640, $0x38;
	[tilespmem:$0x19E00] =	vst v63  }
0xf8: {  	_ =	swait.ge [sflag:s21], $0x640  }
0xf9: {  	[sflag:s21] =	ssyncset.done $0x0  }
0xfa: {  	[sflag:s21] =	ssyncadd.s32 $0xFFFFF9C0  }
0xfb: {  	_ =	swait.ge [sflag:s21], $0x640  }
0xfc: {  	[sflag:s21] =	ssyncset.done $0x0  }
0xfd: {  	[sflag:s21] =	ssyncadd.s32 $0xFFFFF9C0  }
0xfe: {  	_ =	swait.ge [sflag:s21], $0x640  }
0xff: {  	[sflag:s21] =	ssyncset.done $0x0  }
0x100: {  	[sflag:s21] =	ssyncadd.s32 $0xFFFFF9C0  }
0x101: {  	_ =	swait.ge [sflag:s21], $0x640  }
0x102: {  	[sflag:s21] =	ssyncset.done $0x0  }
0x103: {  	[sflag:s21] =	ssyncadd.s32 $0xFFFFF9C0  }
0x104: {  	_ =	swait.ge [sflag:s21], $0x640  }
0x105: {  	[sflag:s21] =	ssyncset.done $0x0  }
0x106: {  	[sflag:s21] =	ssyncadd.s32 $0xFFFFF9C0  }
0x107: {  	_ =	swait.ge [sflag:s21], $0x640  }
0x108: {  	[sflag:s21] =	ssyncset.done $0x0  }
0x109: {  	[sflag:s21] =	ssyncadd.s32 $0xFFFFF9C0  }
0x10a: {  	_ =	swait.ge [sflag:s21], $0x640  }
0x10b: {  	[sflag:s21] =	ssyncset.done $0x0  }
0x10c: {  	[sflag:s21] =	ssyncadd.s32 $0xFFFFF9C0  }
0x10d: {  	_ =	swait.ge [sflag:s21], $0x640  }
0x10e: {  	[sflag:s21] =	ssyncset.done $0x0  }
0x10f: {  	[sflag:s21] =	ssyncadd.s32 $0xFFFFF9C0  }
0x110: {  	_ =	swait.ge [sflag:s21], $0x640  }
0x111: {  	[sflag:s21] =	ssyncset.done $0x0  }
0x112: {  	[sflag:s21] =	ssyncadd.s32 $0xFFFFF9C0  }
0x113: {  	_ =	swait.ge [sflag:s21], $0x640  }
0x114: {  	[sflag:s21] =	ssyncset.done $0x0  }
0x115: {  	[sflag:s21] =	ssyncadd.s32 $0xFFFFF9C0  }
0x116: {  	_ =	swait.ge [sflag:s21], $0x640  }
0x117: {  	[sflag:s21] =	ssyncset.done $0x0  }
0x118: {  	[sflag:s21] =	ssyncadd.s32 $0xFFFFF9C0  }
0x119: {  	_ =	swait.ge [sflag:s21], $0x640  }
0x11a: {  	[sflag:s21] =	ssyncset.done $0x0  }
0x11b: {  	[sflag:s21] =	ssyncadd.s32 $0xFFFFF9C0  }
0x11c: {  	_ =	swait.ge [sflag:s21], $0x640  }
0x11d: {  	[sflag:s21] =	ssyncset.done $0x0  }
0x11e: {  	[sflag:s21] =	ssyncadd.s32 $0xFFFFF9C0  }
0x11f: {  	_ =	swait.ge [sflag:s21], $0x640  }
0x120: {  	[sflag:s21] =	ssyncset.done $0x0  }
0x121: {  	[sflag:s21] =	ssyncadd.s32 $0xFFFFF9C0  }
0x122: {  	_ =	swait.ge [sflag:s21], $0x640  }
0x123: {  	[sflag:s21] =	ssyncset.done $0x0  }
0x124: {  	[sflag:s21] =	ssyncadd.s32 $0xFFFFF9C0  }
0x125: {  	s4 =	smul.u32 $0xE00, s15;
	_ =	swait.ge [sflag:s21], $0x640  }
0x126: {  	[sflag:s21] =	ssyncset.done $0x0  }
0x127: {  	s4 =	sshrl.u32 s4, $0x2;
	[sflag:s21] =	ssyncadd.s32 $0xFFFFF9C0  }
0x128: {  	[tilespmem:s4], [sflag:$0x9] =	stream.linear.gather [hbm4b:s9+s2], $0x380, $0x38;
	[tilespmem:$0x19E00] =	vst v63  }
0x129: {  	_ =	swait.ge [sflag:s11], $0x380  }
0x12a: {  	[sflag:s11] =	ssyncset.done $0x0  }
0x12b: {  	[sflag:s11] =	ssyncadd.s32 $0xFFFFFC80  }
0x12c: {  	[tilespmem:s16], [sflag:s14] =	stream.indirect.gather [hbm4b:s3+s12], $0x20, s4, s12, $0xb8;
	[tilespmem:$0x19E00] =	vst v63  }
0x12d: {  	s17 =	sor.u32 $0x38, s4  }
0x12e: {  	[tilespmem:s18], [sflag:s14] =	stream.indirect.gather [hbm4b:s3+s12], $0x20, s17, s12, $0xb8;
	[tilespmem:$0x19E00] =	vst v63  }
0x12f: {  	s18 =	sor.u32 $0x70, s4  }
0x130: {  	[tilespmem:s19], [sflag:s14] =	stream.indirect.gather [hbm4b:s3+s12], $0x20, s18, s12, $0xb8;
	[tilespmem:$0x19E00] =	vst v63  }
0x131: {  	s21 =	sadd.s32 $0xA8, s4  }
0x132: {  	[tilespmem:s20], [sflag:s14] =	stream.indirect.gather [hbm4b:s3+s12], $0x20, s21, s12, $0xb8;
	[tilespmem:$0x19E00] =	vst v63  }
0x133: {  	s16 =	sadd.s32 $0xE0, s4  }
0x134: {  	[tilespmem:s22], [sflag:s14] =	stream.indirect.gather [hbm4b:s3+s12], $0x20, s16, s12, $0xb8;
	[tilespmem:$0x19E00] =	vst v63  }
0x135: {  	s17 =	sadd.s32 $0x118, s4  }
0x136: {  	[tilespmem:s23], [sflag:s14] =	stream.indirect.gather [hbm4b:s3+s12], $0x20, s17, s12, $0xb8;
	[tilespmem:$0x19E00] =	vst v63  }
0x137: {  	s18 =	sadd.s32 $0x150, s4  }
0x138: {  	[tilespmem:s25], [sflag:s14] =	stream.indirect.gather [hbm4b:s3+s12], $0x20, s18, s12, $0xb8;
	[tilespmem:$0x19E00] =	vst v63  }
0x139: {  	s19 =	sadd.s32 $0x188, s4  }
0x13a: {  	[tilespmem:s26], [sflag:s14] =	stream.indirect.gather [hbm4b:s3+s12], $0x20, s19, s12, $0xb8;
	[tilespmem:$0x19E00] =	vst v63  }
0x13b: {  	s20 =	sadd.s32 $0x1C0, s4  }
0x13c: {  	[tilespmem:s28], [sflag:s14] =	stream.indirect.gather [hbm4b:s3+s12], $0x20, s20, s12, $0xb8;
	[tilespmem:$0x19E00] =	vst v63  }
0x13d: {  	s21 =	sadd.s32 $0x1F8, s4  }
0x13e: {  	[tilespmem:s29], [sflag:s14] =	stream.indirect.gather [hbm4b:s3+s12], $0x20, s21, s12, $0xb8;
	[tilespmem:$0x19E00] =	vst v63  }
0x13f: {  	s22 =	sadd.s32 $0x230, s4  }
0x140: {  	[tilespmem:s5], [sflag:s14] =	stream.indirect.gather [hbm4b:s3+s12], $0x20, s22, s12, $0xb8;
	[tilespmem:$0x19E00] =	vst v63  }
0x141: {  	s23 =	sadd.s32 $0x268, s4  }
0x142: {  	[tilespmem:s6], [sflag:s14] =	stream.indirect.gather [hbm4b:s3+s12], $0x20, s23, s12, $0xb8;
	[tilespmem:$0x19E00] =	vst v63  }
0x143: {  	s25 =	sadd.s32 $0x2A0, s4  }
0x144: {  	[tilespmem:s7], [sflag:s14] =	stream.indirect.gather [hbm4b:s3+s12], $0x20, s25, s12, $0xb8;
	[tilespmem:$0x19E00] =	vst v63  }
0x145: {  	s26 =	sadd.s32 $0x2D8, s4  }
0x146: {  	[tilespmem:s8], [sflag:s14] =	stream.indirect.gather [hbm4b:s3+s12], $0x20, s26, s12, $0xb8;
	[tilespmem:$0x19E00] =	vst v63  }
.Ltmp3:
0x147: {  	_ = 	snop;
	(pc) =	sbr.rel .LBB2_4-.Ltmp3, $4  }
0x148: {  	s28 =	sadd.s32 $0x310, s4  }
0x149: {  	[tilespmem:s0], [sflag:s14] =	stream.indirect.gather [hbm4b:s3+s12], $0x20, s28, s12, $0xb8;
	[tilespmem:$0x19E00] =	vst v63  }
0x14a: {  	s29 =	sadd.s32 $0x348, s4  }
0x14b: {  	[tilespmem:s24], [sflag:s14] =	stream.indirect.gather [hbm4b:s3+s12], $0x20, s29, s12, $0xb8;
	[tilespmem:$0x19E00] =	vst v63  }
.LBB2_5:
0x14c: {  	s9 =	simm.s32 $0x5  }
0x14d: {  	_ =	swait.ge [sflag:s9], $0x640  }
0x14e: {  	[sflag:s9] =	ssyncset.done $0x0  }
0x14f: {  	[sflag:s9] =	ssyncadd.s32 $0xFFFFF9C0  }
0x150: {  	_ =	swait.ge [sflag:s9], $0x640  }
0x151: {  	[sflag:s9] =	ssyncset.done $0x0  }
0x152: {  	[sflag:s9] =	ssyncadd.s32 $0xFFFFF9C0  }
0x153: {  	_ =	swait.ge [sflag:s9], $0x640  }
0x154: {  	[sflag:s9] =	ssyncset.done $0x0  }
0x155: {  	[sflag:s9] =	ssyncadd.s32 $0xFFFFF9C0  }
0x156: {  	_ =	swait.ge [sflag:s9], $0x640  }
0x157: {  	[sflag:s9] =	ssyncset.done $0x0  }
0x158: {  	[sflag:s9] =	ssyncadd.s32 $0xFFFFF9C0  }
0x159: {  	_ =	swait.ge [sflag:s9], $0x640  }
0x15a: {  	[sflag:s9] =	ssyncset.done $0x0  }
0x15b: {  	[sflag:s9] =	ssyncadd.s32 $0xFFFFF9C0  }
0x15c: {  	_ =	swait.ge [sflag:s9], $0x640  }
0x15d: {  	[sflag:s9] =	ssyncset.done $0x0  }
0x15e: {  	[sflag:s9] =	ssyncadd.s32 $0xFFFFF9C0  }
0x15f: {  	_ =	swait.ge [sflag:s9], $0x640  }
0x160: {  	[sflag:s9] =	ssyncset.done $0x0  }
0x161: {  	[sflag:s9] =	ssyncadd.s32 $0xFFFFF9C0  }
0x162: {  	_ =	swait.ge [sflag:s9], $0x640  }
0x163: {  	[sflag:s9] =	ssyncset.done $0x0  }
0x164: {  	[sflag:s9] =	ssyncadd.s32 $0xFFFFF9C0  }
0x165: {  	_ =	swait.ge [sflag:s9], $0x640  }
0x166: {  	[sflag:s9] =	ssyncset.done $0x0  }
0x167: {  	[sflag:s9] =	ssyncadd.s32 $0xFFFFF9C0  }
0x168: {  	_ =	swait.ge [sflag:s9], $0x640  }
0x169: {  	[sflag:s9] =	ssyncset.done $0x0  }
0x16a: {  	[sflag:s9] =	ssyncadd.s32 $0xFFFFF9C0  }
0x16b: {  	_ =	swait.ge [sflag:s9], $0x640  }
0x16c: {  	[sflag:s9] =	ssyncset.done $0x0  }
0x16d: {  	[sflag:s9] =	ssyncadd.s32 $0xFFFFF9C0  }
0x16e: {  	_ =	swait.ge [sflag:s9], $0x640  }
0x16f: {  	[sflag:s9] =	ssyncset.done $0x0  }
0x170: {  	[sflag:s9] =	ssyncadd.s32 $0xFFFFF9C0  }
0x171: {  	_ =	swait.ge [sflag:s9], $0x640  }
0x172: {  	[sflag:s9] =	ssyncset.done $0x0  }
0x173: {  	[sflag:s9] =	ssyncadd.s32 $0xFFFFF9C0  }
0x174: {  	_ =	swait.ge [sflag:s9], $0x640  }
0x175: {  	[sflag:s9] =	ssyncset.done $0x0  }
0x176: {  	[sflag:s9] =	ssyncadd.s32 $0xFFFFF9C0  }
0x177: {  	_ =	swait.ge [sflag:s9], $0x640  }
0x178: {  	[sflag:s9] =	ssyncset.done $0x0  }
0x179: {  	[sflag:s9] =	ssyncadd.s32 $0xFFFFF9C0  }
0x17a: {  	_ =	swait.ge [sflag:s9], $0x640  }
0x17b: {  	s0 =	simm.s32 $0x8;
	s5 =	simm.s32 $0x1;
	[sflag:s9] =	ssyncset.done $0x0  }
.LBB2_6:
0x17c: {  	[sflag:s9] =	ssyncadd.s32 $0xFFFFF9C0  }
0x17d: {  	s9 =	sadd.s32 $0x5, s5;
	s14 =	smov.u32 s0;
	s13 =	sadd.s32 $0x4, s0  }
0x17e: {  	p0 =	sne.s32 s0, $0xC;
	_ =	swait.ge [sflag:s9], $0x640  }
0x17f: {  	[sflag:s9] =	ssyncset.done $0x0  }
0x180: {  	[sflag:s9] =	ssyncadd.s32 $0xFFFFF9C0  }
0x181: {  	_ =	swait.ge [sflag:s9], $0x640  }
0x182: {  	[sflag:s9] =	ssyncset.done $0x0  }
0x183: {  	[sflag:s9] =	ssyncadd.s32 $0xFFFFF9C0  }
0x184: {  	_ =	swait.ge [sflag:s9], $0x640  }
0x185: {  	[sflag:s9] =	ssyncset.done $0x0  }
0x186: {  	[sflag:s9] =	ssyncadd.s32 $0xFFFFF9C0  }
0x187: {  	_ =	swait.ge [sflag:s9], $0x640  }
0x188: {  	[sflag:s9] =	ssyncset.done $0x0  }
0x189: {  	[sflag:s9] =	ssyncadd.s32 $0xFFFFF9C0  }
0x18a: {  	_ =	swait.ge [sflag:s9], $0x640  }
0x18b: {  	[sflag:s9] =	ssyncset.done $0x0  }
0x18c: {  	[sflag:s9] =	ssyncadd.s32 $0xFFFFF9C0  }
0x18d: {  	_ =	swait.ge [sflag:s9], $0x640  }
0x18e: {  	[sflag:s9] =	ssyncset.done $0x0  }
0x18f: {  	[sflag:s9] =	ssyncadd.s32 $0xFFFFF9C0  }
0x190: {  	_ =	swait.ge [sflag:s9], $0x640  }
0x191: {  	[sflag:s9] =	ssyncset.done $0x0  }
0x192: {  	[sflag:s9] =	ssyncadd.s32 $0xFFFFF9C0  }
0x193: {  	_ =	swait.ge [sflag:s9], $0x640  }
0x194: {  	[sflag:s9] =	ssyncset.done $0x0  }
0x195: {  	[sflag:s9] =	ssyncadd.s32 $0xFFFFF9C0  }
0x196: {  	_ =	swait.ge [sflag:s9], $0x640  }
0x197: {  	[sflag:s9] =	ssyncset.done $0x0  }
0x198: {  	[sflag:s9] =	ssyncadd.s32 $0xFFFFF9C0  }
0x199: {  	_ =	swait.ge [sflag:s9], $0x640  }
0x19a: {  	[sflag:s9] =	ssyncset.done $0x0  }
0x19b: {  	[sflag:s9] =	ssyncadd.s32 $0xFFFFF9C0  }
0x19c: {  	_ =	swait.ge [sflag:s9], $0x640  }
0x19d: {  	[sflag:s9] =	ssyncset.done $0x0  }
0x19e: {  	[sflag:s9] =	ssyncadd.s32 $0xFFFFF9C0  }
0x19f: {  	_ =	swait.ge [sflag:s9], $0x640  }
0x1a0: {  	[sflag:s9] =	ssyncset.done $0x0  }
0x1a1: {  	[sflag:s9] =	ssyncadd.s32 $0xFFFFF9C0  }
0x1a2: {  	_ =	swait.ge [sflag:s9], $0x640  }
0x1a3: {  	[sflag:s9] =	ssyncset.done $0x0  }
0x1a4: {  	[sflag:s9] =	ssyncadd.s32 $0xFFFFF9C0  }
0x1a5: {  	_ =	swait.ge [sflag:s9], $0x640  }
0x1a6: {  	[sflag:s9] =	ssyncset.done $0x0  }
0x1a7: {  	[sflag:s9] =	ssyncadd.s32 $0xFFFFF9C0  }
.Ltmp4:
0x1a8: {  	_ =	swait.ge [sflag:s9], $0x640;
	(pc) =	sbr.rel @p0 .LBB2_6-.Ltmp4, $4  }
0x1a9: {  	[sflag:s9] =	ssyncset.done $0x0  }
0x1aa: {  	[sflag:s9] =	ssyncadd.s32 $0xFFFFF9C0  }
0x1ab: {  	_ =	swait.ge [sflag:s9], $0x640  }
0x1ac: {  	s5 =	sshra.s32 s14, $0x2;
	s0 =	smov.u32 s13;
	[sflag:s9] =	ssyncset.done $0x0  }
0x1ad: {  	s0 =	sadd.s32 $0x5, s5;
	[sflag:s9] =	ssyncadd.s32 $0xFFFFF9C0  }
0x1ae: {  	_ =	swait.ge [sflag:s0], $0x640  }
0x1af: {  	[sflag:s0] =	ssyncset.done $0x0  }
0x1b0: {  	[sflag:s0] =	ssyncadd.s32 $0xFFFFF9C0  }
0x1b1: {  	_ =	swait.ge [sflag:s0], $0x640  }
0x1b2: {  	[sflag:s0] =	ssyncset.done $0x0  }
0x1b3: {  	[sflag:s0] =	ssyncadd.s32 $0xFFFFF9C0  }
0x1b4: {  	_ =	swait.ge [sflag:s0], $0x640  }
0x1b5: {  	[sflag:s0] =	ssyncset.done $0x0  }
0x1b6: {  	[sflag:s0] =	ssyncadd.s32 $0xFFFFF9C0  }
0x1b7: {  	_ =	swait.ge [sflag:s0], $0x640  }
0x1b8: {  	[sflag:s0] =	ssyncset.done $0x0  }
0x1b9: {  	[sflag:s0] =	ssyncadd.s32 $0xFFFFF9C0  }
0x1ba: {  	_ =	swait.ge [sflag:s0], $0x640  }
0x1bb: {  	[sflag:s0] =	ssyncset.done $0x0  }
0x1bc: {  	[sflag:s0] =	ssyncadd.s32 $0xFFFFF9C0  }
0x1bd: {  	_ =	swait.ge [sflag:s0], $0x640  }
0x1be: {  	[sflag:s0] =	ssyncset.done $0x0  }
0x1bf: {  	[sflag:s0] =	ssyncadd.s32 $0xFFFFF9C0  }
0x1c0: {  	_ =	swait.ge [sflag:s0], $0x640  }
0x1c1: {  	[sflag:s0] =	ssyncset.done $0x0  }
0x1c2: {  	[sflag:s0] =	ssyncadd.s32 $0xFFFFF9C0  }
0x1c3: {  	_ =	swait.ge [sflag:s0], $0x640  }
0x1c4: {  	[sflag:s0] =	ssyncset.done $0x0  }
0x1c5: {  	[sflag:s0] =	ssyncadd.s32 $0xFFFFF9C0  }
0x1c6: {  	_ =	swait.ge [sflag:s0], $0x640  }
0x1c7: {  	[sflag:s0] =	ssyncset.done $0x0  }
0x1c8: {  	[sflag:s0] =	ssyncadd.s32 $0xFFFFF9C0  }
0x1c9: {  	_ =	swait.ge [sflag:s0], $0x640  }
0x1ca: {  	[sflag:s0] =	ssyncset.done $0x0  }
0x1cb: {  	[sflag:s0] =	ssyncadd.s32 $0xFFFFF9C0  }
0x1cc: {  	_ =	swait.ge [sflag:s0], $0x640  }
0x1cd: {  	[sflag:s0] =	ssyncset.done $0x0  }
0x1ce: {  	[sflag:s0] =	ssyncadd.s32 $0xFFFFF9C0  }
0x1cf: {  	_ =	swait.ge [sflag:s0], $0x640  }
0x1d0: {  	[sflag:s0] =	ssyncset.done $0x0  }
0x1d1: {  	[sflag:s0] =	ssyncadd.s32 $0xFFFFF9C0  }
0x1d2: {  	_ =	swait.ge [sflag:s0], $0x640  }
0x1d3: {  	[sflag:s0] =	ssyncset.done $0x0  }
0x1d4: {  	[sflag:s0] =	ssyncadd.s32 $0xFFFFF9C0  }
0x1d5: {  	_ =	swait.ge [sflag:s0], $0x640  }
0x1d6: {  	[sflag:s0] =	ssyncset.done $0x0  }
0x1d7: {  	[sflag:s0] =	ssyncadd.s32 $0xFFFFF9C0  }
0x1d8: {  	_ =	swait.ge [sflag:s0], $0x640  }
0x1d9: {  	[sflag:s0] =	ssyncset.done $0x0  }
0x1da: {  	[sflag:s0] =	ssyncadd.s32 $0xFFFFF9C0  }
0x1db: {  	_ =	swait.ge [sflag:s0], $0x640  }
0x1dc: {  	s30 =	sadd.s32 $0x1, s30;
	s4 =	rddreg [dreg:$0x4]  }
0x1dd: {  	p0 =	sne.s32 s30, s4  }
.Ltmp5:
0x1de: {  	_ = 	snop;
	(pc) =	sbr.rel @p0 .LBB2_1-.Ltmp5, $3  }
0x1df: {  	_ =	sdelay $0x1  }
0x1e0: {  	[sflag:s0] =	ssyncset.done $0x0  }
0x1e1: {  	[sflag:s0] =	ssyncadd.s32 $0xFFFFF9C0  }
0x1e2: {  	_ =	sfence.sel $0x180000  }
0x1e3: {  	[bflag:$0x0] =	sbarrier.arrive $0xFFFF  }
0x1e4: {  	_ =	strace $0x90000047  }
0x1e5: {  	s0 =	stileid.u32;
	[bflag:$0x2] =	sbarrier.arrive $0xFFFF  }
0x1e6: {  	p0 =	sne.s32 s0, $0x0;
	s0 =	rddreg [dreg:$0x2]  }
0x1e7: {  	s0 =	sadd.s32 @!p0 $0x100000, s0  }
0x1e8: {  	[sflag:s0] =	ssyncadd.tile.s32 @!p0 $0x1;
	_ =	shalt  }
.Lfunc_end2:
_tile_overlayer_lowered:
.L_overlay_start_2:
0x1e9: {  	(tag) =	ssettag $0x2  }
0x1ea: {  	s0 =	rddreg [dreg:$0x0];
	s2 =	stileid.u32  }
0x1eb: {  	s1 =	rddreg [dreg:$0x1];
	p0 =	sne.s32 s2, $0x0  }
0x1ec: {  	s3 =	rddreg [dreg:$0x2];
	[bflag:$0x3] =	sbarrier.arrive $0xFFFF;
	s2 =	simm.s32 @!p0 $0x1C09  }
0x1ed: {  	[timem:s3], [sflag:s2] =	dma.local @!p0 [hbm:s0], s1  }
0x1ee: {  	s0 =	simm.s32 @!p0 $0x9  }
0x1ef: {  	_ =	swait.ge @!p0 [sflag:s0], s1  }
0x1f0: {  	s1 =	ssub.s32 @!p0 $0x0, s1;
	[sflag:s0] =	ssyncset.done @!p0 $0x0  }
0x1f1: {  	[sflag:s0] =	ssyncadd.s32 @!p0 s1  }
0x1f2: {  	[bflag:$0x3] =	sbarrier.arrive $0xFFFF  }
0x1f3: {  	_ =	shalt  }

// kernel: sparse-core-data-format-call.cloned.1.call-start
scs
called_computation_lowered:
.L_overlay_start_0:
0x0: {  	s2 =	sld [smem:$0x3FD9]  }
0x1: {  	s3 =	sld [smem:$0x3FFE];
	_ =	sdelay $0x1  }
0x2: {  	s1 =	srdreg.scid  }
0x3: {  	s0 =	sand.u32 $0x1, s1  }
0x4: {  	s18 =	sshll.u32 s0, $0xA;
	s2 =	sadd.s32 s3, s2  }
0x5: {  	s2 =	sadd.s32 s2, s18  }
0x6: {  	[smem:$0x3FC6] =	sst s2  }
0x7: {  	_ = 	snop  }
0x8: {  	s2 =	sld [smem:$0x3FD0];
	(tm) =	ssettm $0x1  }
0x9: {  	s19 =	sld [smem:$0x3FFB];
	_ =	sdelay $0x3  }
0xa: {  	_ =	strace s19  }
0xb: {  	s3 =	sld [smem:$0x3FFC];
	_ =	sdelay $0x3  }
0xc: {  	_ =	strace s3  }
0xd: {  	s3 =	sld [smem:$0x3FFD];
	_ =	sdelay $0x3  }
0xe: {  	_ =	strace s3  }
0xf: {  	_ =	strace $0x8FFFFFFF  }
0x10: {  	s20 =	sld [smem:$0x3FDB];
	_ =	sdelay $0x1  }
0x11: {  	s4 =	simm.s32 $_scs_section_size  }
0x12: {  	s5 =	simm.s32 $_size__tile_overlayer_lowered;
	s6 =	simm.s32 $_tile_overlayer_lowered  }
0x13: {  	s23 =	simm.s32 $0x1BFF;
	s22 =	sshll.u32 s6, $0x1;
	s3 =	sadd.s32 s4, s20  }
0x14: {  	s7 =	simm.s32 $0x0;
	s21 =	sshll.u32 s5, $0x1;
	s5 =	sadd.s32 s22, s3  }
0x15: {  	[timem:s7], [sflag:s23] =	dma.local [hbm:s5], s21  }
0x16: {  	_ =	swait.ge [sflag:s23], s21  }
0x17: {  	s4 =	ssub.s32 $0x0, s21;
	[sflag:s23] =	ssyncset.done $0x0  }
0x18: {  	[sflag:s23] =	ssyncadd.s32 s4;
	_ =	sdelay $0x1  }
0x19: {  	s24 =	simm.s32 $0x1B8B  }
0x1a: {  	_ =	swait.ge [sflag:s24], $0x1  }
0x1b: {  	[sflag:s24] =	ssyncset.done $0x0  }
0x1c: {  	s26 =	simm.s32 $0x1B8E;
	s25 =	sld [smem:$0x3FFE];
	[sflag:s24] =	ssyncadd.s32 $0xFFFFFFFF  }
0x1d: {  	s27 =	simm.s32 $execute0_lowered;
	[smem:$0x3FD2] =	sst s26  }
0x1e: {  	s5 =	sshll.u32 s27, $0x1;
	_ =	strace $0x80000049;
	[dreg:$0x1] =	wrdreg $0xFFFFFFFF  }
0x1f: {  	s28 =	simm.s32 $_size_execute0_lowered;
	s3 =	sadd.s32 s3, s5;
	[dreg:$0x0] =	wrdreg $0x0  }
0x20: {  	s5 =	sshll.u32 s28, $0x1;
	[dreg:$0x2] =	wrdreg s3  }
0x21: {  	[dreg:$0x3] =	wrdreg s5  }
0x22: {  	[dreg:$0x4] =	wrdreg $0xC0  }
0x23: {  	_ =	task [dreg:s7], $0x5FFFF  }
0x24: {  	[dreg:$0x1] =	wrdreg $0xFFFFFFFF  }
0x25: {  	[dreg:$0x0] =	wrdreg $0x60  }
0x26: {  	[dreg:$0x2] =	wrdreg s25  }
0x27: {  	[dreg:$0x3] =	wrdreg s2  }
0x28: {  	[dreg:$0x4] =	wrdreg $0x9  }
0x29: {  	_ =	task.clear_ibuf [dreg:s7], $0x5FFFF;
	_ =	strace $0x90000049  }
0x2a: {  	s29 =	simm.s32 $0x9;
	_ =	strace $0x8000004B  }
0x2b: {  	_ =	swait.ge [sflag:s29], $0x1  }
0x2c: {  	[sflag:s29] =	ssyncadd.s32 $0xFFFFFFFF  }
0x2d: {  	_ =	strace $0x9000004B  }
0x2e: {  	_ =	sfence  }
0x2f: {  	s30 =	sld [smem:$0x0];
	_ =	sdelay $0x2  }
0x30: {  	s31 =	sshll.u32 s1, $0xD;
	s1 =	sshrl.u32 s1, $0x2  }
0x31: {  	s3 =	sand.u32 $0x4000, s31;
	s1 =	sadd.s32 s1, s30  }
0x32: {  	s0 =	sor.u32 s3, s0;
	s1 =	sshll.u32 s1, $0x11  }
0x33: {  	s0 =	sor.u32 s1, s0  }
0x34: {  	s0 =	sadd.s32 $0x8F2B, s0  }
0x35: {  	[sflag:s0] =	ssyncadd.remote.s32 $0x1  }
0x36: {  	_ =	sfence.sel $0xFFFF  }
0x37: {  	[dreg:$0x0] =	wrdreg $0xFFFFFFFF;
	(pc) =	sbr.abs _section_cstart, $3  }
0x38: {  	[dreg:$0x1] =	wrdreg $0xFFFFFFFF  }
0x39: {  	_ =	task.clear_ibuf [dreg:s7], $0x2FFFF;
	_ =	strace $0x9FFFFFFF  }
0x3a: {  	(tm) =	ssettm $0x7FFFFFFF  }
0x3b: {  	_ =	shalt  }
tec
execute0_lowered:
.L_overlay_start_1:
0x0: {  	(tag) =	ssettag $0x1  }
0x1: {  	s0 =	srdreg.scid  }
0x2: {  	s1 =	sshll.u32 s0, $0x4  }
0x3: {  	s0 =	stileid.u32;
	s1 =	sand.u32 $0x10, s1  }
0x4: {  	s1 =	sor.u32 s0, s1  }
0x5: {  	s6 =	rddreg [dreg:$0x0];
	s4 =	simm.s32 $0x1;
	s2 =	sshll.u32 s1, $0x7  }
0x6: {  	s7 =	simm.s32 $0x2;
	s12 =	simm.s32 $0x0;
	s1 =	ssub.s32 $0x4000, s2  }
0x7: {  	s8 =	simm.s32 $0x20000;
	s13 =	simm.s32 $0x0;
	s3 =	sand.u32 $0xF80, s1  }
0x8: {  	s9 =	simm.s32 $0x0;
	s5 =	sshrl.u32 s1, $0xC;
	p0 =	sne.s32 s3, $0x0  }
.Ltmp0:
0x9: {  	s1 =	rddreg [dreg:$0x2];
	s4 =	simm.s32 @!p0 $0x0;
	(pc) =	sbr.rel .LBB1_1-.Ltmp0, $4  }
0xa: {  	s11 =	simm.s32 $0x0;
	s3 =	rddreg [dreg:$0x1];
	s5 =	sadd.s32 s4, s5  }
0xb: {  	_ =	strace $0x8000004A;
	s4 =	simm.s32 $0x1;
	s5 =	smul.u32 $0x32, s5  }
0xc: {  	s6 =	sadd.s32 $0xA00, s6;
	s10 =	smov.u32 s2;
	[sflag:s4] =	ssyncpa.u1 $0x0  }
0xd: {  	p0 =	por $0x0, $0x0;
	[sflag:s7] =	ssyncpa.u1 $0x0;
	s7 =	sor.u32 $0x1, s5  }
.LBB1_4:
0xe: {  	s16 =	sshll.u32 s13, $0x3;
	s17 =	sand.u32 $0x78, s13  }
0xf: {  	s30 =	sand.u32 $0xF800, s13;
	s12 =	sshll.u32 s12, $0x10;
	s16 =	sand.u32 $0x3C00, s16  }
0x10: {  	s31 =	sand.u32 $0x7, s13;
	s16 =	sor.u32 s17, s16;
	s17 =	sadd.s32 s3, s30  }
0x11: {  	s13 =	sshll.u32 s31, $0x12;
	s16 =	sshrl.u32 s16, $0x3;
	s12 =	sadd.s32 s12, s17  }
0x12: {  	[tilespmem:s15+$0x0 ss:$0x81] =	vst.msk $0xffff, v0;
	s13 =	sor.u32 $0x400, s13;
	s12 =	sadd.s32 s16, s12  }
0x13: {  	[hbm4b:s12+s13] =	stream.strided.scatter [tilespmem:s14], [sflag:$0x2], $0x1000, s8, s13, $0x20;
	[tilespmem:$0x4040] =	vst v63  }
.LBB1_5:
0x14: {  	s14 =	sadd.s32 $0x1, s9  }
0x15: {  	s12 =	sadd.s32 $0x1000, s10;
	s16 =	smov.u32 s10;
	p2 =	sgt.s32 s14, $0x31  }
0x16: {  	s16 =	smov.u32 @p2 s12  }
0x17: {  	s14 =	simm.s32 @p2 $0x0;
	p2 =	sgt.s32 s16, $0x3FFF  }
0x18: {  	s16 =	smov.u32 @p2 s2;
	p2 =	sne.s32 s11, s7  }
.Ltmp1:
0x19: {  	p1 =	slt.u32 s11, $0x2;
	(pc) =	sbr.rel @!p2 .LBB1_6-.Ltmp1, $4  }
0x1a: {  	s15 =	simm.s32 @!p1 $0x2  }
0x1b: {  	s13 =	smov.u32 s10;
	p0 =	por !p0, !p0;
	_ =	swait.ge @!p1 [sflag:s15], $0x1000  }
0x1c: {  	s12 =	smov.u32 s9;
	[sflag:s15] =	ssyncset.done @!p1 $0x0;
	s9 =	smov.u32 s14  }
0x1d: {  	s11 =	sadd.s32 $0x1, s11;
	[sflag:s15] =	ssyncadd.s32 @!p1 $0xFFFFF000;
	s10 =	smov.u32 s16  }
.LBB1_1:
0x1e: {  	p1 =	sge.u32 s11, s5  }
0x1f: {  	s14 =	sand.u32 @!p1 $0x1FFFFFF, s9  }
0x20: {  	s15 =	smulhi.u32 @!p1 $0x4924925, s14;
	_ =	sdelay $0x1  }
0x21: {  	s15 =	smul.u32 @!p1 $0x38, s15  }
0x22: {  	s16 =	sxor.u32 @!p1 $0xFFFFFFFF, s11;
	s17 =	smul.u32 @!p1 $0x380, s10  }
0x23: {  	s31 =	sadd.s32 $0xFFFFFFFF, s11;
	s16 =	sshll.u32 @!p1 s16, $0xC;
	s14 =	ssub.s32 @!p1 s14, s15  }
0x24: {  	s15 =	sand.u32 @!p1 $0x1000, s16;
	s16 =	sadd.s32 @!p1 s6, s17;
	s14 =	sshll.u32 @!p1 s14, $0x4  }
0x25: {  	s17 =	simm.s32 @!p1 $0x1C00;
	s14 =	sadd.s32 @!p1 s14, s16;
	s16 =	simm.s32 @!p1 $0x20  }
0x26: {  	[tilespmem:s15], [sflag:$0x1] =	stream.strided.gather @!p1 [hbm4b:s14+s16], $0x1000, s17, s16, $0x38;
	[tilespmem:$0x4040] =	vst v63  }
0x27: {  	p1 =	sge.u32 s31, s5  }
.Ltmp2:
0x28: {  	_ = 	snop;
	(pc) =	sbr.rel @p1 .LBB1_5-.Ltmp2, $1  }
0x29: {  	_ =	sdelay $0x3  }
0x2a: {  	s14 =	simm.s32 $0x1  }
0x2b: {  	_ =	swait.ge [sflag:s4], $0x1000;
	s14 =	simm.s32 @!p0 $0x0  }
0x2c: {  	[sflag:s4] =	ssyncset.done $0x0;
	s15 =	sshll.u32 s14, $0xC  }
0x2d: {  	[sflag:s4] =	ssyncadd.s32 $0xFFFFF000;
	s18 =	sor.u32 $0x10, s15  }
0x2e: {  	s14 =	smul.u32 $0x4080, s14;
	v1 =	vld [tilespmem:s18+$0x0]  }
0x2f: {  	s30 =	sand.u32 $0x1, s11;
	v0 =	vld [tilespmem:s18+$0xFFFFFFF0]  }
0x30: {  	s15 =	smul.u32 $0x4080, s30;
	s14 =	sshrl.u32 s14, $0x2  }
0x31: {  	s16 =	sor.u32 $0x2000, s14  }
0x32: {  	s31 =	sshrl.u32 s15, $0x2;
	s15 =	sadd.s32 $0x0, s16  }
0x33: {  	s17 =	simm.s32 $0x4;
	s18 =	sadd.s32 $0x20, s18;
	s14 =	sor.u32 $0x2000, s31;
	[tilespmem:s15+$0x810 ss:$0x81] =	vst.msk $0xffff, v1  }
.LBB1_3:
0x34: {  	v1 =	vld [tilespmem:s18+$0x0];
	p1 =	sne.s32 s17, $0x1FC;
	[tilespmem:s15+$0x0 ss:$0x81] =	vst.msk $0xffff, v0;
	s15 =	smov.u32 s17;
	s17 =	sadd.s32 $0x4, s17  }
.Ltmp3:
0x35: {  	v0 =	vld [tilespmem:s18+$0xFFFFFFF0];
	(pc) =	sbr.rel @p1 .LBB1_3-.Ltmp3, $4  }
0x36: {  	_ = 	snop  }
0x37: {  	s15 =	sshra.s32 s15, $0x2  }
0x38: {  	s15 =	sadd.s32 s15, s16  }
0x39: {  	s18 =	sadd.s32 $0x20, s18;
	[tilespmem:s15+$0x810 ss:$0x81] =	vst.msk $0xffff, v1  }
.Ltmp4:
0x3a: {  	_ = 	snop;
	(pc) =	sbr.rel .LBB1_4-.Ltmp4, $1  }
0x3b: {  	_ =	sdelay $0x3  }
.LBB1_6:
0x3c: {  	_ =	sfence.sel $0x180000  }
0x3d: {  	s2 =	simm.s32 $0x1;
	[bflag:$0x0] =	sbarrier.arrive $0xFFFF  }
0x3e: {  	s31 =	simm.s32 $0x2;
	[sflag:s2] =	ssyncpa.u1 $0x1  }
0x3f: {  	[sflag:s31] =	ssyncpa.u1 $0x1  }
0x40: {  	p0 =	sne.s32 s0, $0x0;
	_ =	strace $0x9000004A  }
0x41: {  	s0 =	sadd.s32 @!p0 $0x100000, s1;
	[bflag:$0x2] =	sbarrier.arrive $0xFFFF  }
0x42: {  	[sflag:s0] =	ssyncadd.tile.s32 @!p0 $0x1;
	_ =	shalt  }
.Lfunc_end1:
_tile_overlayer_lowered:
.L_overlay_start_2:
0x43: {  	(tag) =	ssettag $0x2  }
0x44: {  	s0 =	rddreg [dreg:$0x0];
	s2 =	stileid.u32  }
0x45: {  	s1 =	rddreg [dreg:$0x1];
	p0 =	sne.s32 s2, $0x0  }
0x46: {  	s3 =	rddreg [dreg:$0x2];
	[bflag:$0x3] =	sbarrier.arrive $0xFFFF;
	s2 =	simm.s32 @!p0 $0x1C01  }
0x47: {  	[timem:s3], [sflag:s2] =	dma.local @!p0 [hbm:s0], s1  }
0x48: {  	s0 =	simm.s32 @!p0 $0x1  }
0x49: {  	_ =	swait.ge @!p0 [sflag:s0], s1  }
0x4a: {  	s1 =	ssub.s32 @!p0 $0x0, s1;
	[sflag:s0] =	ssyncset.done @!p0 $0x0  }
0x4b: {  	[sflag:s0] =	ssyncadd.s32 @!p0 s1  }
0x4c: {  	[bflag:$0x3] =	sbarrier.arrive $0xFFFF  }
0x4d: {  	_ =	shalt  }

</sc_bundles>
